<compile_context>
chip_gen: v7x
topology: tpu7x:2x2x1
jax: 0.10.2.dev20260603
libtpu: 0.0.44.dev20260713+nightly
codegen_flags: <defaults>
</compile_context>

<pallas_src>
import jax
import jax.numpy as jnp
from jax import lax
from jax.experimental import pallas as pl
from jax.experimental.pallas import tpu as pltpu
from jax.experimental.pallas import tpu_sc as plsc

N_IN = 20000
N = 20480
ROWS = 160
K_OUT = 2000
K_PAD = 2048
D_V = 86
D_PAD = 128
IB = 128
JB = 5120
PB = 256


def _k0_key_clip(cx_ref, cy_ref, w_ref, h_ref, s0_ref,
                 key_ref, ocx_ref, ocy_ref, ow_ref, oh_ref):
    cx = cx_ref[...]
    cy = cy_ref[...]
    w = w_ref[...]
    h = h_ref[...]
    s0 = s0_ref[...]
    tlx = jnp.maximum(cx - w * 0.5, 0.0)
    tly = jnp.maximum(cy - h * 0.5, 0.0)
    brx = jnp.minimum(cx + w * 0.5, 512.0)
    bry = jnp.minimum(cy + h * 0.5, 512.0)
    nw = jnp.maximum(brx - tlx, 0.0)
    nh = jnp.maximum(bry - tly, 0.0)
    ocx_ref[...] = (tlx + brx) * 0.5
    ocy_ref[...] = (tly + bry) * 0.5
    ow_ref[...] = nw
    oh_ref[...] = nh
    keep = (nw > 30.0) & (nh > 30.0)
    fg = 1.0 - s0
    bits = jax.lax.bitcast_convert_type(fg, jnp.int32) * 2
    key_ref[...] = jnp.where(keep, bits, jnp.int32(-(2 ** 30)))


def _k1_rank(key_row_ref, key_col_ref, rank_ref):
    i0 = pl.program_id(0) * IB
    ki = key_col_ref[...]
    ki_m1 = ki - 1
    my_i = i0 + jax.lax.broadcasted_iota(jnp.int32, (IB, 1), 0)
    kr = key_row_ref[...]
    acc = jnp.zeros((IB, 1), dtype=jnp.float32)
    for c in range(N // JB):
        j0 = c * JB
        krc = jax.lax.slice(kr, (0, j0), (1, j0 + JB))
        jot = j0 + jax.lax.broadcasted_iota(jnp.int32, (1, JB), 1)
        thresh = jnp.where(jot < my_i, ki_m1, ki)
        acc = acc + jnp.sum(jnp.where(krc > thresh, 1.0, 0.0),
                            axis=1, keepdims=True)
    rank_ref[...] = acc


NW = 32
CHUNK = N // NW
G16 = CHUNK // 16
JROWS = CHUNK // 128
DUMP = K_PAD
GB = K_PAD // NW
D_V2 = 128

_MESH = plsc.VectorSubcoreMesh(core_axis_name="c", subcore_axis_name="s")


def _sc_scatter_perm(ranks_hbm, perm_hbm, rank_v, idx_b, val_b, sem):
    wid = lax.axis_index("s") * 2 + lax.axis_index("c")
    base = wid * CHUNK
    pltpu.sync_copy(ranks_hbm.at[pl.ds(base, CHUNK)], rank_v)
    for k in range(G16):
        rv = rank_v[pl.ds(k * 16, 16)]
        pos = base + k * 16 + lax.iota(jnp.int32, 16)
        row, col = k // 8, (k % 8) * 16
        idx_b[row, pl.ds(col, 16)] = jnp.where(rv < DUMP, rv, DUMP + pos)
        val_b[row, pl.ds(col, 16)] = pos
    for j in range(JROWS):
        pltpu.async_copy(val_b.at[j], perm_hbm.at[idx_b.at[j]], sem).wait()


def _sc_gather_rows(perm_hbm, v_hbm, out_hbm, idx_v, rows_v, sem):
    wid = lax.axis_index("s") * 2 + lax.axis_index("c")
    base = wid * GB
    pltpu.sync_copy(perm_hbm.at[pl.ds(base, GB)], idx_v)
    pltpu.async_copy(v_hbm.at[idx_v], rows_v, sem).wait()
    pltpu.sync_copy(rows_v, out_hbm.at[pl.ds(base, GB)])


def _k2_select(rank_row_ref, v_ref, out_ref):
    p0 = pl.program_id(0) * PB
    pid = (p0 + jax.lax.broadcasted_iota(jnp.int32, (PB, 1), 0)).astype(
        jnp.float32)
    ranks = rank_row_ref[...]
    sel = jnp.where(ranks == pid, 1.0, 0.0)
    out_ref[...] = jnp.dot(sel, v_ref[...],
                           precision=jax.lax.Precision.HIGHEST,
                           preferred_element_type=jnp.float32)


def kernel(image, boxes, class_ids, indices):
    img_h, img_w = image.shape[1], image.shape[2]
    del img_h, img_w

    pad = N - N_IN
    boxes_p = jnp.pad(boxes, ((0, pad), (0, 0)))
    s0_p = jnp.pad(class_ids[:, 0], (0, pad), constant_values=1.0)

    def rm(col):
        return col.reshape(ROWS, 128)

    cx, cy, w, h = (rm(boxes_p[:, i]) for i in range(4))
    s0 = rm(s0_p)

    f32 = jnp.float32
    blk = pl.BlockSpec((ROWS, 128), lambda: (0, 0))
    key, ocx, ocy, ow, oh = pl.pallas_call(
        _k0_key_clip,
        out_shape=[jax.ShapeDtypeStruct((ROWS, 128), jnp.int32)]
        + [jax.ShapeDtypeStruct((ROWS, 128), f32)] * 4,
        in_specs=[blk] * 5,
        out_specs=[blk] * 5,
    )(cx, cy, w, h, s0)

    key_row = key.reshape(1, N)
    key_col = key.reshape(N, 1)

    ranks = pl.pallas_call(
        _k1_rank,
        grid=(N // IB,),
        out_shape=jax.ShapeDtypeStruct((N, 1), f32),
        in_specs=[
            pl.BlockSpec((1, N), lambda i: (0, 0)),
            pl.BlockSpec((IB, 1), lambda i: (i, 0)),
        ],
        out_specs=pl.BlockSpec((IB, 1), lambda i: (i, 0)),
    )(key_row, key_col)

    v = jnp.concatenate(
        [
            ocx.reshape(N, 1), ocy.reshape(N, 1),
            ow.reshape(N, 1), oh.reshape(N, 1),
            jnp.pad(class_ids, ((0, pad), (0, 0))),
            jnp.pad(indices, (0, pad)).astype(f32).reshape(N, 1),
            jnp.zeros((N, D_V2 - D_V), f32),
        ],
        axis=1,
    )

    ranks_i32 = ranks.reshape(N).astype(jnp.int32)

    perm = pl.kernel(
        _sc_scatter_perm,
        out_type=jax.ShapeDtypeStruct((K_PAD + N,), jnp.int32),
        mesh=_MESH,
        scratch_types=[
            pltpu.VMEM((CHUNK,), jnp.int32),
            pltpu.VMEM((JROWS, 128), jnp.int32),
            pltpu.VMEM((JROWS, 128), jnp.int32),
            pltpu.SemaphoreType.DMA,
        ],
    )(ranks_i32)

    out = pl.kernel(
        _sc_gather_rows,
        out_type=jax.ShapeDtypeStruct((K_PAD, D_V2), f32),
        mesh=_MESH,
        scratch_types=[
            pltpu.VMEM((GB,), jnp.int32),
            pltpu.VMEM((GB, D_V2), f32),
            pltpu.SemaphoreType.DMA,
        ],
    )(perm, v)

    boxes_out = out[:K_OUT, 0:4]
    class_out = out[:K_OUT, 4:85]
    idx_out = jnp.round(out[:K_OUT, 85]).astype(jnp.int32)
    return boxes_out, class_out, idx_out

# --- scband reference (transcript-rebuilt; emitter-appended) ---
"""Pipeline reference for scband-filter-boxes2-d-19430432047278 (READ-ONLY COPY).

The authoritative reference and input builder live on the scoring server;
editing this copy changes nothing except your own understanding.
"""

import jax, jax.numpy as jnp
import numpy as np

MIN_SIZE = (30.0, 30.0)
K_PRE = 12000
K_POST = 2000
SCORE_TRESH = 0.05
BG = 0


def _clip_boxes(boxes, img_h, img_w):
    pos = boxes[:, :2]
    size = boxes[:, 2:]
    tl = pos - size / 2.0
    br = pos + size / 2.0
    tl = jnp.maximum(tl, 0.0)
    br = jnp.stack([jnp.minimum(br[:, 0], float(img_w)), jnp.minimum(br[:, 1], float(img_h))], axis=1)
    pos = (tl + br) / 2.0
    size = jnp.maximum(br - tl, 0.0)
    return jnp.concatenate([pos, size], axis=1)


def setup_inputs(seed: int = 0):
    key = jax.random.key(seed)
    k1, k2, k3, k4 = jax.random.split(key, 4)
    image = jax.random.normal(k1, (1, 512, 512, 3), dtype=jnp.float32)
    centers = jax.random.uniform(k2, (20000, 2), dtype=jnp.float32, minval=100.0, maxval=412.0)
    sizes = jax.random.uniform(k3, (20000, 2), dtype=jnp.float32, minval=40.0, maxval=180.0)
    boxes = jnp.concatenate([centers, sizes], axis=1)
    scores = jax.random.uniform(k4, (20000, 81), dtype=jnp.float32, minval=0.0, maxval=1.0)
    scores = scores / jnp.sum(scores, axis=1, keepdims=True)
    indices = jnp.arange(20000, dtype=jnp.int32)
    return {"image": image, "boxes": boxes, "class_ids": scores, "indices": indices}


def reference(image, boxes, class_ids, indices):
    # ClipBox2DToImage (built from inputs.image shape: B,H,W,C -> [H, W])
    img_h, img_w = image.shape[1], image.shape[2]
    boxes = _clip_boxes(boxes, img_h, img_w)
    # FilterSmallBoxes2D
    keep_mask = (boxes[:, 2] > MIN_SIZE[0]) & (boxes[:, 3] > MIN_SIZE[1])
    # GatherTopKIndicesOnIndexed (pre-NMS): rank by foreground score = 1 - background prob
    fg = 1.0 - class_ids[:, BG]
    k = min(K_PRE, int(fg.shape[0]))
    _, ti = jax.lax.top_k(jnp.where(keep_mask, fg, -jnp.inf), k)
    class_ids = class_ids[ti]
    indices = indices[ti]
    boxes = boxes[ti]
    # FilterLowScores
    keep_mask = (1.0 - class_ids[:, BG]) > SCORE_TRESH
    # GatherTopKIndicesOnIndexed (post-NMS)
    fg = 1.0 - class_ids[:, BG]
    k = min(K_POST, int(fg.shape[0]))
    _, ti = jax.lax.top_k(jnp.where(keep_mask, fg, -jnp.inf), k)
    class_ids = class_ids[ti]
    indices = indices[ti]
    boxes = boxes[ti]
    return boxes, class_ids, indices

if __name__ == "__main__":
    import jax
    _d = setup_inputs()
    print(jax.jit(kernel)(*tuple(_d.values())))

</pallas_src>

<mosaic_0001>
#map = affine_map<(d0, d1) -> (0)>
#map1 = affine_map<(d0, d1) -> (0, 0)>
module attributes {stable_mosaic.version = 14 : i64} {
  func.func @_sc_gather_rows(%arg0: i32, %arg1: i32, %arg2: memref<22528xi32, #tpu.memory_space<hbm>>, %arg3: memref<20480x128xf32, #tpu.memory_space<hbm>>, %arg4: memref<2048x128xf32, #tpu.memory_space<hbm>>, %arg5: memref<64xi32, #tpu.memory_space<vmem>>, %arg6: memref<64x128xf32, #tpu.memory_space<vmem>>, %arg7: memref<!tpu.dma_semaphore, #tpu.memory_space<semaphore_mem>>) attributes {dimension_semantics = [#tpu.dimension_semantics<core_parallel>, #tpu.dimension_semantics<subcore_parallel>], iteration_bounds = array<i64: 2, 16>, scalar_prefetch = 0 : i64, scratch_operands = 3 : i64, tpu.core_type = #tpu.core_type<sc_vector_subcore>, window_params = [{transform_indices = #map}, {transform_indices = #map1}, {transform_indices = #map1}]} {
    %mul3A = arith.constant 2 : i32
    %mul3A_0 = arith.muli %arg1, %mul3A : i32
    %add3A = arith.addi %mul3A_0, %arg0 : i32
    %mul3A_1 = arith.constant 64 : i32
    %mul3A_2 = arith.muli %add3A, %mul3A_1 : i32
    "tpu.region"() ({
      %run_scoped3A = tpu.sem_alloc : memref<!tpu.dma_semaphore, #tpu.memory_space<semaphore_mem>>
      %dma_start3A_7 = tpu.memref_slice %arg2[%mul3A_2] : memref<22528xi32, #tpu.memory_space<hbm>> -> memref<64xi32, #tpu.memory_space<hbm>>
      %dma_start3A_8 = tpu.memref_slice %arg2[%mul3A_2] : memref<22528xi32, #tpu.memory_space<hbm>> -> memref<64xi32, #tpu.memory_space<hbm>>
      tpu.enqueue_dma source(%dma_start3A_8 : memref<64xi32, #tpu.memory_space<hbm>>) target(%arg5 : memref<64xi32, #tpu.memory_space<vmem>>) target_semaphore(%run_scoped3A : memref<!tpu.dma_semaphore, #tpu.memory_space<semaphore_mem>>)
      %dma_wait3A_9 = tpu.memref_slice %arg2[%mul3A_2] : memref<22528xi32, #tpu.memory_space<hbm>> -> memref<64xi32, #tpu.memory_space<hbm>>
      %dma_wait3A_10 = tpu.memref_slice %arg2[%mul3A_2] : memref<22528xi32, #tpu.memory_space<hbm>> -> memref<64xi32, #tpu.memory_space<hbm>>
      tpu.wait_dma2 semaphore(%run_scoped3A : memref<!tpu.dma_semaphore, #tpu.memory_space<semaphore_mem>>) src(%dma_wait3A_10 : memref<64xi32, #tpu.memory_space<hbm>>) dst(%arg5 : memref<64xi32, #tpu.memory_space<vmem>>)
      tpu.yield
    }) : () -> ()
    %dma_start3A = arith.constant 0 : i32
    %dma_start3A_3 = arith.constant 0 : i32
    %dma_start3A_4 = tpu.memref_slice %arg3[%dma_start3A, %dma_start3A_3] : memref<20480x128xf32, #tpu.memory_space<hbm>> -> memref<20480x128xf32, #tpu.memory_space<hbm>>
    tpu.enqueue_indirect_dma source(%dma_start3A_4 : memref<20480x128xf32, #tpu.memory_space<hbm>>) target(%arg6 : memref<64x128xf32, #tpu.memory_space<vmem>>) offsets(%arg5 : memref<64xi32, #tpu.memory_space<vmem>>) semaphore(%arg7 : memref<!tpu.dma_semaphore, #tpu.memory_space<semaphore_mem>>)
    %dma_wait3A = arith.constant 0 : i32
    %dma_wait3A_5 = arith.constant 0 : i32
    %dma_wait3A_6 = tpu.memref_slice %arg3[%dma_wait3A, %dma_wait3A_5] : memref<20480x128xf32, #tpu.memory_space<hbm>> -> memref<20480x128xf32, #tpu.memory_space<hbm>>
    tpu.wait_indirect_dma semaphore(%arg7 : memref<!tpu.dma_semaphore, #tpu.memory_space<semaphore_mem>>) src(%dma_wait3A_6 : memref<20480x128xf32, #tpu.memory_space<hbm>>) dst(%arg6 : memref<64x128xf32, #tpu.memory_space<vmem>>)
    "tpu.region"() ({
      %run_scoped3A = tpu.sem_alloc : memref<!tpu.dma_semaphore, #tpu.memory_space<semaphore_mem>>
      %dma_start3A_7 = arith.constant 0 : i32
      %dma_start3A_8 = tpu.memref_slice %arg4[%mul3A_2, %dma_start3A_7] : memref<2048x128xf32, #tpu.memory_space<hbm>> -> memref<64x128xf32, #tpu.memory_space<hbm>>
      %dma_start3A_9 = arith.constant 0 : i32
      %dma_start3A_10 = tpu.memref_slice %arg4[%mul3A_2, %dma_start3A_9] : memref<2048x128xf32, #tpu.memory_space<hbm>> -> memref<64x128xf32, #tpu.memory_space<hbm>>
      tpu.enqueue_dma source(%arg6 : memref<64x128xf32, #tpu.memory_space<vmem>>) target(%dma_start3A_10 : memref<64x128xf32, #tpu.memory_space<hbm>>) target_semaphore(%run_scoped3A : memref<!tpu.dma_semaphore, #tpu.memory_space<semaphore_mem>>)
      %dma_wait3A_11 = arith.constant 0 : i32
      %dma_wait3A_12 = tpu.memref_slice %arg4[%mul3A_2, %dma_wait3A_11] : memref<2048x128xf32, #tpu.memory_space<hbm>> -> memref<64x128xf32, #tpu.memory_space<hbm>>
      %dma_wait3A_13 = arith.constant 0 : i32
      %dma_wait3A_14 = tpu.memref_slice %arg4[%mul3A_2, %dma_wait3A_13] : memref<2048x128xf32, #tpu.memory_space<hbm>> -> memref<64x128xf32, #tpu.memory_space<hbm>>
      tpu.wait_dma2 semaphore(%run_scoped3A : memref<!tpu.dma_semaphore, #tpu.memory_space<semaphore_mem>>) src(%arg6 : memref<64x128xf32, #tpu.memory_space<vmem>>) dst(%dma_wait3A_14 : memref<64x128xf32, #tpu.memory_space<hbm>>)
      tpu.yield
    }) : () -> ()
    return
  }
}

#map = affine_map<(d0, d1) -> (0)>
module attributes {stable_mosaic.version = 14 : i64} {
  func.func @_sc_scatter_perm(%arg0: i32, %arg1: i32, %arg2: memref<20480xi32, #tpu.memory_space<hbm>>, %arg3: memref<22528xi32, #tpu.memory_space<hbm>>, %arg4: memref<640xi32, #tpu.memory_space<vmem>>, %arg5: memref<5x128xi32, #tpu.memory_space<vmem>>, %arg6: memref<5x128xi32, #tpu.memory_space<vmem>>, %arg7: memref<!tpu.dma_semaphore, #tpu.memory_space<semaphore_mem>>) attributes {dimension_semantics = [#tpu.dimension_semantics<core_parallel>, #tpu.dimension_semantics<subcore_parallel>], iteration_bounds = array<i64: 2, 16>, scalar_prefetch = 0 : i64, scratch_operands = 4 : i64, tpu.core_type = #tpu.core_type<sc_vector_subcore>, window_params = [{transform_indices = #map}, {transform_indices = #map}]} {
    %mul3A = arith.constant 2 : i32
    %mul3A_0 = arith.muli %arg1, %mul3A : i32
    %add3A = arith.addi %mul3A_0, %arg0 : i32
    %mul3A_1 = arith.constant 640 : i32
    %mul3A_2 = arith.muli %add3A, %mul3A_1 : i32
    "tpu.region"() ({
      %run_scoped3A = tpu.sem_alloc : memref<!tpu.dma_semaphore, #tpu.memory_space<semaphore_mem>>
      %dma_start3A_1176 = tpu.memref_slice %arg2[%mul3A_2] : memref<20480xi32, #tpu.memory_space<hbm>> -> memref<640xi32, #tpu.memory_space<hbm>>
      %dma_start3A_1177 = tpu.memref_slice %arg2[%mul3A_2] : memref<20480xi32, #tpu.memory_space<hbm>> -> memref<640xi32, #tpu.memory_space<hbm>>
      tpu.enqueue_dma source(%dma_start3A_1177 : memref<640xi32, #tpu.memory_space<hbm>>) target(%arg4 : memref<640xi32, #tpu.memory_space<vmem>>) target_semaphore(%run_scoped3A : memref<!tpu.dma_semaphore, #tpu.memory_space<semaphore_mem>>)
      %dma_wait3A_1178 = tpu.memref_slice %arg2[%mul3A_2] : memref<20480xi32, #tpu.memory_space<hbm>> -> memref<640xi32, #tpu.memory_space<hbm>>
      %dma_wait3A_1179 = tpu.memref_slice %arg2[%mul3A_2] : memref<20480xi32, #tpu.memory_space<hbm>> -> memref<640xi32, #tpu.memory_space<hbm>>
      tpu.wait_dma2 semaphore(%run_scoped3A : memref<!tpu.dma_semaphore, #tpu.memory_space<semaphore_mem>>) src(%dma_wait3A_1179 : memref<640xi32, #tpu.memory_space<hbm>>) dst(%arg4 : memref<640xi32, #tpu.memory_space<vmem>>)
      tpu.yield
    }) : () -> ()
    %get3A = arith.constant 0 : index
    %get3A_3 = tpu.vector_load %arg4[%get3A] {strides = array<i32>} : memref<640xi32, #tpu.memory_space<vmem>>, vector<16xi32>,
    %get3A_4 = vector.shape_cast %get3A_3 : vector<16xi32> to vector<16xi32>
    %add3A_5 = arith.constant 0 : i32
    %add3A_6 = arith.addi %mul3A_2, %add3A_5 : i32
    %iota3A = tpu.iota {dimensions = array<i32: 0>} : vector<16xi32>
    %add3A_7 = vector.broadcast %add3A_6 : i32 to vector<16xi32>
    %add3A_8 = arith.addi %add3A_7, %iota3A : vector<16xi32>
    %lt3A = arith.constant 2048 : i32
    %lt3A_9 = vector.broadcast %lt3A : i32 to vector<16xi32>
    %lt3A_10 = arith.cmpi slt, %get3A_4, %lt3A_9 : vector<16xi32>
    %add3A_11 = arith.constant 2048 : i32
    %add3A_12 = vector.broadcast %add3A_11 : i32 to vector<16xi32>
    %add3A_13 = arith.addi %add3A_12, %add3A_8 : vector<16xi32>
    %select_n3A = arith.select %lt3A_10, %get3A_4, %add3A_13 : vector<16xi1>, vector<16xi32>
    %swap3A = arith.constant 0 : i32
    %swap3A_14 = arith.index_cast %swap3A : i32 to index
    %swap3A_15 = arith.constant 0 : index
    %swap3A_16 = tpu.vector_load %arg5[%swap3A_14, %swap3A_15] {strides = array<i32>} : memref<5x128xi32, #tpu.memory_space<vmem>>, vector<1x16xi32>,
    %swap3A_17 = vector.shape_cast %swap3A_16 : vector<1x16xi32> to vector<16xi32>
    %swap3A_18 = vector.shape_cast %select_n3A : vector<16xi32> to vector<1x16xi32>
    tpu.vector_store %arg5[%swap3A_14, %swap3A_15], %swap3A_18 {strides = array<i32>} : memref<5x128xi32, #tpu.memory_space<vmem>>, vector<1x16xi32>,
    %swap3A_19 = arith.constant 0 : i32
    %swap3A_20 = arith.index_cast %swap3A_19 : i32 to index
    %swap3A_21 = arith.constant 0 : index
    %swap3A_22 = tpu.vector_load %arg6[%swap3A_20, %swap3A_21] {strides = array<i32>} : memref<5x128xi32, #tpu.memory_space<vmem>>, vector<1x16xi32>,
    %swap3A_23 = vector.shape_cast %swap3A_22 : vector<1x16xi32> to vector<16xi32>
    %swap3A_24 = vector.shape_cast %add3A_8 : vector<16xi32> to vector<1x16xi32>
    tpu.vector_store %arg6[%swap3A_20, %swap3A_21], %swap3A_24 {strides = array<i32>} : memref<5x128xi32, #tpu.memory_space<vmem>>, vector<1x16xi32>,
    %get3A_25 = arith.constant 16 : index
    %get3A_26 = tpu.vector_load %arg4[%get3A_25] {strides = array<i32>} : memref<640xi32, #tpu.memory_space<vmem>>, vector<16xi32>,
    %get3A_27 = vector.shape_cast %get3A_26 : vector<16xi32> to vector<16xi32>
    %add3A_28 = arith.constant 16 : i32
    %add3A_29 = arith.addi %mul3A_2, %add3A_28 : i32
    %iota3A_30 = tpu.iota {dimensions = array<i32: 0>} : vector<16xi32>
    %add3A_31 = vector.broadcast %add3A_29 : i32 to vector<16xi32>
    %add3A_32 = arith.addi %add3A_31, %iota3A_30 : vector<16xi32>
    %lt3A_33 = arith.constant 2048 : i32
    %lt3A_34 = vector.broadcast %lt3A_33 : i32 to vector<16xi32>
    %lt3A_35 = arith.cmpi slt, %get3A_27, %lt3A_34 : vector<16xi32>
    %add3A_36 = arith.constant 2048 : i32
    %add3A_37 = vector.broadcast %add3A_36 : i32 to vector<16xi32>
    %add3A_38 = arith.addi %add3A_37, %add3A_32 : vector<16xi32>
    %select_n3A_39 = arith.select %lt3A_35, %get3A_27, %add3A_38 : vector<16xi1>, vector<16xi32>
    %swap3A_40 = arith.constant 0 : i32
    %swap3A_41 = arith.index_cast %swap3A_40 : i32 to index
    %swap3A_42 = arith.constant 16 : index
    %swap3A_43 = tpu.vector_load %arg5[%swap3A_41, %swap3A_42] {strides = array<i32>} : memref<5x128xi32, #tpu.memory_space<vmem>>, vector<1x16xi32>,
    %swap3A_44 = vector.shape_cast %swap3A_43 : vector<1x16xi32> to vector<16xi32>
    %swap3A_45 = vector.shape_cast %select_n3A_39 : vector<16xi32> to vector<1x16xi32>
    tpu.vector_store %arg5[%swap3A_41, %swap3A_42], %swap3A_45 {strides = array<i32>} : memref<5x128xi32, #tpu.memory_space<vmem>>, vector<1x16xi32>,
    %swap3A_46 = arith.constant 0 : i32
    %swap3A_47 = arith.index_cast %swap3A_46 : i32 to index
    %swap3A_48 = arith.constant 16 : index
    %swap3A_49 = tpu.vector_load %arg6[%swap3A_47, %swap3A_48] {strides = array<i32>} : memref<5x128xi32, #tpu.memory_space<vmem>>, vector<1x16xi32>,
    %swap3A_50 = vector.shape_cast %swap3A_49 : vector<1x16xi32> to vector<16xi32>
    %swap3A_51 = vector.shape_cast %add3A_32 : vector<16xi32> to vector<1x16xi32>
    tpu.vector_store %arg6[%swap3A_47, %swap3A_48], %swap3A_51 {strides = array<i32>} : memref<5x128xi32, #tpu.memory_space<vmem>>, vector<1x16xi32>,
    %get3A_52 = arith.constant 32 : index
    %get3A_53 = tpu.vector_load %arg4[%get3A_52] {strides = array<i32>} : memref<640xi32, #tpu.memory_space<vmem>>, vector<16xi32>,
    %get3A_54 = vector.shape_cast %get3A_53 : vector<16xi32> to vector<16xi32>
    %add3A_55 = arith.constant 32 : i32
    %add3A_56 = arith.addi %mul3A_2, %add3A_55 : i32
    %iota3A_57 = tpu.iota {dimensions = array<i32: 0>} : vector<16xi32>
    %add3A_58 = vector.broadcast %add3A_56 : i32 to vector<16xi32>
    %add3A_59 = arith.addi %add3A_58, %iota3A_57 : vector<16xi32>
    %lt3A_60 = arith.constant 2048 : i32
    %lt3A_61 = vector.broadcast %lt3A_60 : i32 to vector<16xi32>
    %lt3A_62 = arith.cmpi slt, %get3A_54, %lt3A_61 : vector<16xi32>
    %add3A_63 = arith.constant 2048 : i32
    %add3A_64 = vector.broadcast %add3A_63 : i32 to vector<16xi32>
    %add3A_65 = arith.addi %add3A_64, %add3A_59 : vector<16xi32>
    %select_n3A_66 = arith.select %lt3A_62, %get3A_54, %add3A_65 : vector<16xi1>, vector<16xi32>
    %swap3A_67 = arith.constant 0 : i32
    %swap3A_68 = arith.index_cast %swap3A_67 : i32 to index
    %swap3A_69 = arith.constant 32 : index
    %swap3A_70 = tpu.vector_load %arg5[%swap3A_68, %swap3A_69] {strides = array<i32>} : memref<5x128xi32, #tpu.memory_space<vmem>>, vector<1x16xi32>,
    %swap3A_71 = vector.shape_cast %swap3A_70 : vector<1x16xi32> to vector<16xi32>
    %swap3A_72 = vector.shape_cast %select_n3A_66 : vector<16xi32> to vector<1x16xi32>
    tpu.vector_store %arg5[%swap3A_68, %swap3A_69], %swap3A_72 {strides = array<i32>} : memref<5x128xi32, #tpu.memory_space<vmem>>, vector<1x16xi32>,
    %swap3A_73 = arith.constant 0 : i32
    %swap3A_74 = arith.index_cast %swap3A_73 : i32 to index
    %swap3A_75 = arith.constant 32 : index
    %swap3A_76 = tpu.vector_load %arg6[%swap3A_74, %swap3A_75] {strides = array<i32>} : memref<5x128xi32, #tpu.memory_space<vmem>>, vector<1x16xi32>,
    %swap3A_77 = vector.shape_cast %swap3A_76 : vector<1x16xi32> to vector<16xi32>
    %swap3A_78 = vector.shape_cast %add3A_59 : vector<16xi32> to vector<1x16xi32>
    tpu.vector_store %arg6[%swap3A_74, %swap3A_75], %swap3A_78 {strides = array<i32>} : memref<5x128xi32, #tpu.memory_space<vmem>>, vector<1x16xi32>,
    %get3A_79 = arith.constant 48 : index
    %get3A_80 = tpu.vector_load %arg4[%get3A_79] {strides = array<i32>} : memref<640xi32, #tpu.memory_space<vmem>>, vector<16xi32>,
    %get3A_81 = vector.shape_cast %get3A_80 : vector<16xi32> to vector<16xi32>
    %add3A_82 = arith.constant 48 : i32
    %add3A_83 = arith.addi %mul3A_2, %add3A_82 : i32
    %iota3A_84 = tpu.iota {dimensions = array<i32: 0>} : vector<16xi32>
    %add3A_85 = vector.broadcast %add3A_83 : i32 to vector<16xi32>
    %add3A_86 = arith.addi %add3A_85, %iota3A_84 : vector<16xi32>
    %lt3A_87 = arith.constant 2048 : i32
    %lt3A_88 = vector.broadcast %lt3A_87 : i32 to vector<16xi32>
    %lt3A_89 = arith.cmpi slt, %get3A_81, %lt3A_88 : vector<16xi32>
    %add3A_90 = arith.constant 2048 : i32
    %add3A_91 = vector.broadcast %add3A_90 : i32 to vector<16xi32>
    %add3A_92 = arith.addi %add3A_91, %add3A_86 : vector<16xi32>
    %select_n3A_93 = arith.select %lt3A_89, %get3A_81, %add3A_92 : vector<16xi1>, vector<16xi32>
    %swap3A_94 = arith.constant 0 : i32
    %swap3A_95 = arith.index_cast %swap3A_94 : i32 to index
    %swap3A_96 = arith.constant 48 : index
    %swap3A_97 = tpu.vector_load %arg5[%swap3A_95, %swap3A_96] {strides = array<i32>} : memref<5x128xi32, #tpu.memory_space<vmem>>, vector<1x16xi32>,
    %swap3A_98 = vector.shape_cast %swap3A_97 : vector<1x16xi32> to vector<16xi32>
    %swap3A_99 = vector.shape_cast %select_n3A_93 : vector<16xi32> to vector<1x16xi32>
    tpu.vector_store %arg5[%swap3A_95, %swap3A_96], %swap3A_99 {strides = array<i32>} : memref<5x128xi32, #tpu.memory_space<vmem>>, vector<1x16xi32>,
    %swap3A_100 = arith.constant 0 : i32
    %swap3A_101 = arith.index_cast %swap3A_100 : i32 to index
    %swap3A_102 = arith.constant 48 : index
    %swap3A_103 = tpu.vector_load %arg6[%swap3A_101, %swap3A_102] {strides = array<i32>} : memref<5x128xi32, #tpu.memory_space<vmem>>, vector<1x16xi32>,
    %swap3A_104 = vector.shape_cast %swap3A_103 : vector<1x16xi32> to vector<16xi32>
    %swap3A_105 = vector.shape_cast %add3A_86 : vector<16xi32> to vector<1x16xi32>
    tpu.vector_store %arg6[%swap3A_101, %swap3A_102], %swap3A_105 {strides = array<i32>} : memref<5x128xi32, #tpu.memory_space<vmem>>, vector<1x16xi32>,
    %get3A_106 = arith.constant 64 : index
    %get3A_107 = tpu.vector_load %arg4[%get3A_106] {strides = array<i32>} : memref<640xi32, #tpu.memory_space<vmem>>, vector<16xi32>,
    %get3A_108 = vector.shape_cast %get3A_107 : vector<16xi32> to vector<16xi32>
    %add3A_109 = arith.constant 64 : i32
    %add3A_110 = arith.addi %mul3A_2, %add3A_109 : i32
    %iota3A_111 = tpu.iota {dimensions = array<i32: 0>} : vector<16xi32>
    %add3A_112 = vector.broadcast %add3A_110 : i32 to vector<16xi32>
    %add3A_113 = arith.addi %add3A_112, %iota3A_111 : vector<16xi32>
    %lt3A_114 = arith.constant 2048 : i32
    %lt3A_115 = vector.broadcast %lt3A_114 : i32 to vector<16xi32>
    %lt3A_116 = arith.cmpi slt, %get3A_108, %lt3A_115 : vector<16xi32>
    %add3A_117 = arith.constant 2048 : i32
    %add3A_118 = vector.broadcast %add3A_117 : i32 to vector<16xi32>
    %add3A_119 = arith.addi %add3A_118, %add3A_113 : vector<16xi32>
    %select_n3A_120 = arith.select %lt3A_116, %get3A_108, %add3A_119 : vector<16xi1>, vector<16xi32>
    %swap3A_121 = arith.constant 0 : i32
    %swap3A_122 = arith.index_cast %swap3A_121 : i32 to index
    %swap3A_123 = arith.constant 64 : index
    %swap3A_124 = tpu.vector_load %arg5[%swap3A_122, %swap3A_123] {strides = array<i32>} : memref<5x128xi32, #tpu.memory_space<vmem>>, vector<1x16xi32>,
    %swap3A_125 = vector.shape_cast %swap3A_124 : vector<1x16xi32> to vector<16xi32>
    %swap3A_126 = vector.shape_cast %select_n3A_120 : vector<16xi32> to vector<1x16xi32>
    tpu.vector_store %arg5[%swap3A_122, %swap3A_123], %swap3A_126 {strides = array<i32>} : memref<5x128xi32, #tpu.memory_space<vmem>>, vector<1x16xi32>,
    %swap3A_127 = arith.constant 0 : i32
    %swap3A_128 = arith.index_cast %swap3A_127 : i32 to index
    %swap3A_129 = arith.constant 64 : index
    %swap3A_130 = tpu.vector_load %arg6[%swap3A_128, %swap3A_129] {strides = array<i32>} : memref<5x128xi32, #tpu.memory_space<vmem>>, vector<1x16xi32>,
    %swap3A_131 = vector.shape_cast %swap3A_130 : vector<1x16xi32> to vector<16xi32>
    %swap3A_132 = vector.shape_cast %add3A_113 : vector<16xi32> to vector<1x16xi32>
    tpu.vector_store %arg6[%swap3A_128, %swap3A_129], %swap3A_132 {strides = array<i32>} : memref<5x128xi32, #tpu.memory_space<vmem>>, vector<1x16xi32>,
    %get3A_133 = arith.constant 80 : index
    %get3A_134 = tpu.vector_load %arg4[%get3A_133] {strides = array<i32>} : memref<640xi32, #tpu.memory_space<vmem>>, vector<16xi32>,
    %get3A_135 = vector.shape_cast %get3A_134 : vector<16xi32> to vector<16xi32>
    %add3A_136 = arith.constant 80 : i32
    %add3A_137 = arith.addi %mul3A_2, %add3A_136 : i32
    %iota3A_138 = tpu.iota {dimensions = array<i32: 0>} : vector<16xi32>
    %add3A_139 = vector.broadcast %add3A_137 : i32 to vector<16xi32>
    %add3A_140 = arith.addi %add3A_139, %iota3A_138 : vector<16xi32>
    %lt3A_141 = arith.constant 2048 : i32
    %lt3A_142 = vector.broadcast %lt3A_141 : i32 to vector<16xi32>
    %lt3A_143 = arith.cmpi slt, %get3A_135, %lt3A_142 : vector<16xi32>
    %add3A_144 = arith.constant 2048 : i32
    %add3A_145 = vector.broadcast %add3A_144 : i32 to vector<16xi32>
    %add3A_146 = arith.addi %add3A_145, %add3A_140 : vector<16xi32>
    %select_n3A_147 = arith.select %lt3A_143, %get3A_135, %add3A_146 : vector<16xi1>, vector<16xi32>
    %swap3A_148 = arith.constant 0 : i32
    %swap3A_149 = arith.index_cast %swap3A_148 : i32 to index
    %swap3A_150 = arith.constant 80 : index
    %swap3A_151 = tpu.vector_load %arg5[%swap3A_149, %swap3A_150] {strides = array<i32>} : memref<5x128xi32, #tpu.memory_space<vmem>>, vector<1x16xi32>,
    %swap3A_152 = vector.shape_cast %swap3A_151 : vector<1x16xi32> to vector<16xi32>
    %swap3A_153 = vector.shape_cast %select_n3A_147 : vector<16xi32> to vector<1x16xi32>
    tpu.vector_store %arg5[%swap3A_149, %swap3A_150], %swap3A_153 {strides = array<i32>} : memref<5x128xi32, #tpu.memory_space<vmem>>, vector<1x16xi32>,
    %swap3A_154 = arith.constant 0 : i32
    %swap3A_155 = arith.index_cast %swap3A_154 : i32 to index
    %swap3A_156 = arith.constant 80 : index
    %swap3A_157 = tpu.vector_load %arg6[%swap3A_155, %swap3A_156] {strides = array<i32>} : memref<5x128xi32, #tpu.memory_space<vmem>>, vector<1x16xi32>,
    %swap3A_158 = vector.shape_cast %swap3A_157 : vector<1x16xi32> to vector<16xi32>
    %swap3A_159 = vector.shape_cast %add3A_140 : vector<16xi32> to vector<1x16xi32>
    tpu.vector_store %arg6[%swap3A_155, %swap3A_156], %swap3A_159 {strides = array<i32>} : memref<5x128xi32, #tpu.memory_space<vmem>>, vector<1x16xi32>,
    %get3A_160 = arith.constant 96 : index
    %get3A_161 = tpu.vector_load %arg4[%get3A_160] {strides = array<i32>} : memref<640xi32, #tpu.memory_space<vmem>>, vector<16xi32>,
    %get3A_162 = vector.shape_cast %get3A_161 : vector<16xi32> to vector<16xi32>
    %add3A_163 = arith.constant 96 : i32
    %add3A_164 = arith.addi %mul3A_2, %add3A_163 : i32
    %iota3A_165 = tpu.iota {dimensions = array<i32: 0>} : vector<16xi32>
    %add3A_166 = vector.broadcast %add3A_164 : i32 to vector<16xi32>
    %add3A_167 = arith.addi %add3A_166, %iota3A_165 : vector<16xi32>
    %lt3A_168 = arith.constant 2048 : i32
    %lt3A_169 = vector.broadcast %lt3A_168 : i32 to vector<16xi32>
    %lt3A_170 = arith.cmpi slt, %get3A_162, %lt3A_169 : vector<16xi32>
    %add3A_171 = arith.constant 2048 : i32
    %add3A_172 = vector.broadcast %add3A_171 : i32 to vector<16xi32>
    %add3A_173 = arith.addi %add3A_172, %add3A_167 : vector<16xi32>
    %select_n3A_174 = arith.select %lt3A_170, %get3A_162, %add3A_173 : vector<16xi1>, vector<16xi32>
    %swap3A_175 = arith.constant 0 : i32
    %swap3A_176 = arith.index_cast %swap3A_175 : i32 to index
    %swap3A_177 = arith.constant 96 : index
    %swap3A_178 = tpu.vector_load %arg5[%swap3A_176, %swap3A_177] {strides = array<i32>} : memref<5x128xi32, #tpu.memory_space<vmem>>, vector<1x16xi32>,
    %swap3A_179 = vector.shape_cast %swap3A_178 : vector<1x16xi32> to vector<16xi32>
    %swap3A_180 = vector.shape_cast %select_n3A_174 : vector<16xi32> to vector<1x16xi32>
    tpu.vector_store %arg5[%swap3A_176, %swap3A_177], %swap3A_180 {strides = array<i32>} : memref<5x128xi32, #tpu.memory_space<vmem>>, vector<1x16xi32>,
    %swap3A_181 = arith.constant 0 : i32
    %swap3A_182 = arith.index_cast %swap3A_181 : i32 to index
    %swap3A_183 = arith.constant 96 : index
    %swap3A_184 = tpu.vector_load %arg6[%swap3A_182, %swap3A_183] {strides = array<i32>} : memref<5x128xi32, #tpu.memory_space<vmem>>, vector<1x16xi32>,
    %swap3A_185 = vector.shape_cast %swap3A_184 : vector<1x16xi32> to vector<16xi32>
    %swap3A_186 = vector.shape_cast %add3A_167 : vector<16xi32> to vector<1x16xi32>
    tpu.vector_store %arg6[%swap3A_182, %swap3A_183], %swap3A_186 {strides = array<i32>} : memref<5x128xi32, #tpu.memory_space<vmem>>, vector<1x16xi32>,
    %get3A_187 = arith.constant 112 : index
    %get3A_188 = tpu.vector_load %arg4[%get3A_187] {strides = array<i32>} : memref<640xi32, #tpu.memory_space<vmem>>, vector<16xi32>,
    %get3A_189 = vector.shape_cast %get3A_188 : vector<16xi32> to vector<16xi32>
    %add3A_190 = arith.constant 112 : i32
    %add3A_191 = arith.addi %mul3A_2, %add3A_190 : i32
    %iota3A_192 = tpu.iota {dimensions = array<i32: 0>} : vector<16xi32>
    %add3A_193 = vector.broadcast %add3A_191 : i32 to vector<16xi32>
    %add3A_194 = arith.addi %add3A_193, %iota3A_192 : vector<16xi32>
    %lt3A_195 = arith.constant 2048 : i32
    %lt3A_196 = vector.broadcast %lt3A_195 : i32 to vector<16xi32>
    %lt3A_197 = arith.cmpi slt, %get3A_189, %lt3A_196 : vector<16xi32>
    %add3A_198 = arith.constant 2048 : i32
    %add3A_199 = vector.broadcast %add3A_198 : i32 to vector<16xi32>
    %add3A_200 = arith.addi %add3A_199, %add3A_194 : vector<16xi32>
    %select_n3A_201 = arith.select %lt3A_197, %get3A_189, %add3A_200 : vector<16xi1>, vector<16xi32>
    %swap3A_202 = arith.constant 0 : i32
    %swap3A_203 = arith.index_cast %swap3A_202 : i32 to index
    %swap3A_204 = arith.constant 112 : index
    %swap3A_205 = tpu.vector_load %arg5[%swap3A_203, %swap3A_204] {strides = array<i32>} : memref<5x128xi32, #tpu.memory_space<vmem>>, vector<1x16xi32>,
    %swap3A_206 = vector.shape_cast %swap3A_205 : vector<1x16xi32> to vector<16xi32>
    %swap3A_207 = vector.shape_cast %select_n3A_201 : vector<16xi32> to vector<1x16xi32>
    tpu.vector_store %arg5[%swap3A_203, %swap3A_204], %swap3A_207 {strides = array<i32>} : memref<5x128xi32, #tpu.memory_space<vmem>>, vector<1x16xi32>,
    %swap3A_208 = arith.constant 0 : i32
    %swap3A_209 = arith.index_cast %swap3A_208 : i32 to index
    %swap3A_210 = arith.constant 112 : index
    %swap3A_211 = tpu.vector_load %arg6[%swap3A_209, %swap3A_210] {strides = array<i32>} : memref<5x128xi32, #tpu.memory_space<vmem>>, vector<1x16xi32>,
    %swap3A_212 = vector.shape_cast %swap3A_211 : vector<1x16xi32> to vector<16xi32>
    %swap3A_213 = vector.shape_cast %add3A_194 : vector<16xi32> to vector<1x16xi32>
    tpu.vector_store %arg6[%swap3A_209, %swap3A_210], %swap3A_213 {strides = array<i32>} : memref<5x128xi32, #tpu.memory_space<vmem>>, vector<1x16xi32>,
    %get3A_214 = arith.constant 128 : index
    %get3A_215 = tpu.vector_load %arg4[%get3A_214] {strides = array<i32>} : memref<640xi32, #tpu.memory_space<vmem>>, vector<16xi32>,
    %get3A_216 = vector.shape_cast %get3A_215 : vector<16xi32> to vector<16xi32>
    %add3A_217 = arith.constant 128 : i32
    %add3A_218 = arith.addi %mul3A_2, %add3A_217 : i32
    %iota3A_219 = tpu.iota {dimensions = array<i32: 0>} : vector<16xi32>
    %add3A_220 = vector.broadcast %add3A_218 : i32 to vector<16xi32>
    %add3A_221 = arith.addi %add3A_220, %iota3A_219 : vector<16xi32>
    %lt3A_222 = arith.constant 2048 : i32
    %lt3A_223 = vector.broadcast %lt3A_222 : i32 to vector<16xi32>
    %lt3A_224 = arith.cmpi slt, %get3A_216, %lt3A_223 : vector<16xi32>
    %add3A_225 = arith.constant 2048 : i32
    %add3A_226 = vector.broadcast %add3A_225 : i32 to vector<16xi32>
    %add3A_227 = arith.addi %add3A_226, %add3A_221 : vector<16xi32>
    %select_n3A_228 = arith.select %lt3A_224, %get3A_216, %add3A_227 : vector<16xi1>, vector<16xi32>
    %swap3A_229 = arith.constant 1 : i32
    %swap3A_230 = arith.index_cast %swap3A_229 : i32 to index
    %swap3A_231 = arith.constant 0 : index
    %swap3A_232 = tpu.vector_load %arg5[%swap3A_230, %swap3A_231] {strides = array<i32>} : memref<5x128xi32, #tpu.memory_space<vmem>>, vector<1x16xi32>,
    %swap3A_233 = vector.shape_cast %swap3A_232 : vector<1x16xi32> to vector<16xi32>
    %swap3A_234 = vector.shape_cast %select_n3A_228 : vector<16xi32> to vector<1x16xi32>
    tpu.vector_store %arg5[%swap3A_230, %swap3A_231], %swap3A_234 {strides = array<i32>} : memref<5x128xi32, #tpu.memory_space<vmem>>, vector<1x16xi32>,
    %swap3A_235 = arith.constant 1 : i32
    %swap3A_236 = arith.index_cast %swap3A_235 : i32 to index
    %swap3A_237 = arith.constant 0 : index
    %swap3A_238 = tpu.vector_load %arg6[%swap3A_236, %swap3A_237] {strides = array<i32>} : memref<5x128xi32, #tpu.memory_space<vmem>>, vector<1x16xi32>,
    %swap3A_239 = vector.shape_cast %swap3A_238 : vector<1x16xi32> to vector<16xi32>
    %swap3A_240 = vector.shape_cast %add3A_221 : vector<16xi32> to vector<1x16xi32>
    tpu.vector_store %arg6[%swap3A_236, %swap3A_237], %swap3A_240 {strides = array<i32>} : memref<5x128xi32, #tpu.memory_space<vmem>>, vector<1x16xi32>,
    %get3A_241 = arith.constant 144 : index
    %get3A_242 = tpu.vector_load %arg4[%get3A_241] {strides = array<i32>} : memref<640xi32, #tpu.memory_space<vmem>>, vector<16xi32>,
    %get3A_243 = vector.shape_cast %get3A_242 : vector<16xi32> to vector<16xi32>
    %add3A_244 = arith.constant 144 : i32
    %add3A_245 = arith.addi %mul3A_2, %add3A_244 : i32
    %iota3A_246 = tpu.iota {dimensions = array<i32: 0>} : vector<16xi32>
    %add3A_247 = vector.broadcast %add3A_245 : i32 to vector<16xi32>
    %add3A_248 = arith.addi %add3A_247, %iota3A_246 : vector<16xi32>
    %lt3A_249 = arith.constant 2048 : i32
    %lt3A_250 = vector.broadcast %lt3A_249 : i32 to vector<16xi32>
    %lt3A_251 = arith.cmpi slt, %get3A_243, %lt3A_250 : vector<16xi32>
    %add3A_252 = arith.constant 2048 : i32
    %add3A_253 = vector.broadcast %add3A_252 : i32 to vector<16xi32>
    %add3A_254 = arith.addi %add3A_253, %add3A_248 : vector<16xi32>
    %select_n3A_255 = arith.select %lt3A_251, %get3A_243, %add3A_254 : vector<16xi1>, vector<16xi32>
    %swap3A_256 = arith.constant 1 : i32
    %swap3A_257 = arith.index_cast %swap3A_256 : i32 to index
    %swap3A_258 = arith.constant 16 : index
    %swap3A_259 = tpu.vector_load %arg5[%swap3A_257, %swap3A_258] {strides = array<i32>} : memref<5x128xi32, #tpu.memory_space<vmem>>, vector<1x16xi32>,
    %swap3A_260 = vector.shape_cast %swap3A_259 : vector<1x16xi32> to vector<16xi32>
    %swap3A_261 = vector.shape_cast %select_n3A_255 : vector<16xi32> to vector<1x16xi32>
    tpu.vector_store %arg5[%swap3A_257, %swap3A_258], %swap3A_261 {strides = array<i32>} : memref<5x128xi32, #tpu.memory_space<vmem>>, vector<1x16xi32>,
    %swap3A_262 = arith.constant 1 : i32
    %swap3A_263 = arith.index_cast %swap3A_262 : i32 to index
    %swap3A_264 = arith.constant 16 : index
    %swap3A_265 = tpu.vector_load %arg6[%swap3A_263, %swap3A_264] {strides = array<i32>} : memref<5x128xi32, #tpu.memory_space<vmem>>, vector<1x16xi32>,
    %swap3A_266 = vector.shape_cast %swap3A_265 : vector<1x16xi32> to vector<16xi32>
    %swap3A_267 = vector.shape_cast %add3A_248 : vector<16xi32> to vector<1x16xi32>
    tpu.vector_store %arg6[%swap3A_263, %swap3A_264], %swap3A_267 {strides = array<i32>} : memref<5x128xi32, #tpu.memory_space<vmem>>, vector<1x16xi32>,
    %get3A_268 = arith.constant 160 : index
    %get3A_269 = tpu.vector_load %arg4[%get3A_268] {strides = array<i32>} : memref<640xi32, #tpu.memory_space<vmem>>, vector<16xi32>,
    %get3A_270 = vector.shape_cast %get3A_269 : vector<16xi32> to vector<16xi32>
    %add3A_271 = arith.constant 160 : i32
    %add3A_272 = arith.addi %mul3A_2, %add3A_271 : i32
    %iota3A_273 = tpu.iota {dimensions = array<i32: 0>} : vector<16xi32>
    %add3A_274 = vector.broadcast %add3A_272 : i32 to vector<16xi32>
    %add3A_275 = arith.addi %add3A_274, %iota3A_273 : vector<16xi32>
    %lt3A_276 = arith.constant 2048 : i32
    %lt3A_277 = vector.broadcast %lt3A_276 : i32 to vector<16xi32>
    %lt3A_278 = arith.cmpi slt, %get3A_270, %lt3A_277 : vector<16xi32>
    %add3A_279 = arith.constant 2048 : i32
    %add3A_280 = vector.broadcast %add3A_279 : i32 to vector<16xi32>
    %add3A_281 = arith.addi %add3A_280, %add3A_275 : vector<16xi32>
    %select_n3A_282 = arith.select %lt3A_278, %get3A_270, %add3A_281 : vector<16xi1>, vector<16xi32>
    %swap3A_283 = arith.constant 1 : i32
    %swap3A_284 = arith.index_cast %swap3A_283 : i32 to index
    %swap3A_285 = arith.constant 32 : index
    %swap3A_286 = tpu.vector_load %arg5[%swap3A_284, %swap3A_285] {strides = array<i32>} : memref<5x128xi32, #tpu.memory_space<vmem>>, vector<1x16xi32>,
    %swap3A_287 = vector.shape_cast %swap3A_286 : vector<1x16xi32> to vector<16xi32>
    %swap3A_288 = vector.shape_cast %select_n3A_282 : vector<16xi32> to vector<1x16xi32>
    tpu.vector_store %arg5[%swap3A_284, %swap3A_285], %swap3A_288 {strides = array<i32>} : memref<5x128xi32, #tpu.memory_space<vmem>>, vector<1x16xi32>,
    %swap3A_289 = arith.constant 1 : i32
    %swap3A_290 = arith.index_cast %swap3A_289 : i32 to index
    %swap3A_291 = arith.constant 32 : index
    %swap3A_292 = tpu.vector_load %arg6[%swap3A_290, %swap3A_291] {strides = array<i32>} : memref<5x128xi32, #tpu.memory_space<vmem>>, vector<1x16xi32>,
    %swap3A_293 = vector.shape_cast %swap3A_292 : vector<1x16xi32> to vector<16xi32>
    %swap3A_294 = vector.shape_cast %add3A_275 : vector<16xi32> to vector<1x16xi32>
    tpu.vector_store %arg6[%swap3A_290, %swap3A_291], %swap3A_294 {strides = array<i32>} : memref<5x128xi32, #tpu.memory_space<vmem>>, vector<1x16xi32>,
    %get3A_295 = arith.constant 176 : index
    %get3A_296 = tpu.vector_load %arg4[%get3A_295] {strides = array<i32>} : memref<640xi32, #tpu.memory_space<vmem>>, vector<16xi32>,
    %get3A_297 = vector.shape_cast %get3A_296 : vector<16xi32> to vector<16xi32>
    %add3A_298 = arith.constant 176 : i32
    %add3A_299 = arith.addi %mul3A_2, %add3A_298 : i32
    %iota3A_300 = tpu.iota {dimensions = array<i32: 0>} : vector<16xi32>
    %add3A_301 = vector.broadcast %add3A_299 : i32 to vector<16xi32>
    %add3A_302 = arith.addi %add3A_301, %iota3A_300 : vector<16xi32>
    %lt3A_303 = arith.constant 2048 : i32
    %lt3A_304 = vector.broadcast %lt3A_303 : i32 to vector<16xi32>
    %lt3A_305 = arith.cmpi slt, %get3A_297, %lt3A_304 : vector<16xi32>
    %add3A_306 = arith.constant 2048 : i32
    %add3A_307 = vector.broadcast %add3A_306 : i32 to vector<16xi32>
    %add3A_308 = arith.addi %add3A_307, %add3A_302 : vector<16xi32>
    %select_n3A_309 = arith.select %lt3A_305, %get3A_297, %add3A_308 : vector<16xi1>, vector<16xi32>
    %swap3A_310 = arith.constant 1 : i32
    %swap3A_311 = arith.index_cast %swap3A_310 : i32 to index
    %swap3A_312 = arith.constant 48 : index
    %swap3A_313 = tpu.vector_load %arg5[%swap3A_311, %swap3A_312] {strides = array<i32>} : memref<5x128xi32, #tpu.memory_space<vmem>>, vector<1x16xi32>,
    %swap3A_314 = vector.shape_cast %swap3A_313 : vector<1x16xi32> to vector<16xi32>
    %swap3A_315 = vector.shape_cast %select_n3A_309 : vector<16xi32> to vector<1x16xi32>
    tpu.vector_store %arg5[%swap3A_311, %swap3A_312], %swap3A_315 {strides = array<i32>} : memref<5x128xi32, #tpu.memory_space<vmem>>, vector<1x16xi32>,
    %swap3A_316 = arith.constant 1 : i32
    %swap3A_317 = arith.index_cast %swap3A_316 : i32 to index
    %swap3A_318 = arith.constant 48 : index
    %swap3A_319 = tpu.vector_load %arg6[%swap3A_317, %swap3A_318] {strides = array<i32>} : memref<5x128xi32, #tpu.memory_space<vmem>>, vector<1x16xi32>,
    %swap3A_320 = vector.shape_cast %swap3A_319 : vector<1x16xi32> to vector<16xi32>
    %swap3A_321 = vector.shape_cast %add3A_302 : vector<16xi32> to vector<1x16xi32>
    tpu.vector_store %arg6[%swap3A_317, %swap3A_318], %swap3A_321 {strides = array<i32>} : memref<5x128xi32, #tpu.memory_space<vmem>>, vector<1x16xi32>,
    %get3A_322 = arith.constant 192 : index
    %get3A_323 = tpu.vector_load %arg4[%get3A_322] {strides = array<i32>} : memref<640xi32, #tpu.memory_space<vmem>>, vector<16xi32>,
    %get3A_324 = vector.shape_cast %get3A_323 : vector<16xi32> to vector<16xi32>
    %add3A_325 = arith.constant 192 : i32
    %add3A_326 = arith.addi %mul3A_2, %add3A_325 : i32
    %iota3A_327 = tpu.iota {dimensions = array<i32: 0>} : vector<16xi32>
    %add3A_328 = vector.broadcast %add3A_326 : i32 to vector<16xi32>
    %add3A_329 = arith.addi %add3A_328, %iota3A_327 : vector<16xi32>
    %lt3A_330 = arith.constant 2048 : i32
    %lt3A_331 = vector.broadcast %lt3A_330 : i32 to vector<16xi32>
    %lt3A_332 = arith.cmpi slt, %get3A_324, %lt3A_331 : vector<16xi32>
    %add3A_333 = arith.constant 2048 : i32
    %add3A_334 = vector.broadcast %add3A_333 : i32 to vector<16xi32>
    %add3A_335 = arith.addi %add3A_334, %add3A_329 : vector<16xi32>
    %select_n3A_336 = arith.select %lt3A_332, %get3A_324, %add3A_335 : vector<16xi1>, vector<16xi32>
    %swap3A_337 = arith.constant 1 : i32
    %swap3A_338 = arith.index_cast %swap3A_337 : i32 to index
    %swap3A_339 = arith.constant 64 : index
    %swap3A_340 = tpu.vector_load %arg5[%swap3A_338, %swap3A_339] {strides = array<i32>} : memref<5x128xi32, #tpu.memory_space<vmem>>, vector<1x16xi32>,
    %swap3A_341 = vector.shape_cast %swap3A_340 : vector<1x16xi32> to vector<16xi32>
    %swap3A_342 = vector.shape_cast %select_n3A_336 : vector<16xi32> to vector<1x16xi32>
    tpu.vector_store %arg5[%swap3A_338, %swap3A_339], %swap3A_342 {strides = array<i32>} : memref<5x128xi32, #tpu.memory_space<vmem>>, vector<1x16xi32>,
    %swap3A_343 = arith.constant 1 : i32
    %swap3A_344 = arith.index_cast %swap3A_343 : i32 to index
    %swap3A_345 = arith.constant 64 : index
    %swap3A_346 = tpu.vector_load %arg6[%swap3A_344, %swap3A_345] {strides = array<i32>} : memref<5x128xi32, #tpu.memory_space<vmem>>, vector<1x16xi32>,
    %swap3A_347 = vector.shape_cast %swap3A_346 : vector<1x16xi32> to vector<16xi32>
    %swap3A_348 = vector.shape_cast %add3A_329 : vector<16xi32> to vector<1x16xi32>
    tpu.vector_store %arg6[%swap3A_344, %swap3A_345], %swap3A_348 {strides = array<i32>} : memref<5x128xi32, #tpu.memory_space<vmem>>, vector<1x16xi32>,
    %get3A_349 = arith.constant 208 : index
    %get3A_350 = tpu.vector_load %arg4[%get3A_349] {strides = array<i32>} : memref<640xi32, #tpu.memory_space<vmem>>, vector<16xi32>,
    %get3A_351 = vector.shape_cast %get3A_350 : vector<16xi32> to vector<16xi32>
    %add3A_352 = arith.constant 208 : i32
    %add3A_353 = arith.addi %mul3A_2, %add3A_352 : i32
    %iota3A_354 = tpu.iota {dimensions = array<i32: 0>} : vector<16xi32>
    %add3A_355 = vector.broadcast %add3A_353 : i32 to vector<16xi32>
    %add3A_356 = arith.addi %add3A_355, %iota3A_354 : vector<16xi32>
    %lt3A_357 = arith.constant 2048 : i32
    %lt3A_358 = vector.broadcast %lt3A_357 : i32 to vector<16xi32>
    %lt3A_359 = arith.cmpi slt, %get3A_351, %lt3A_358 : vector<16xi32>
    %add3A_360 = arith.constant 2048 : i32
    %add3A_361 = vector.broadcast %add3A_360 : i32 to vector<16xi32>
    %add3A_362 = arith.addi %add3A_361, %add3A_356 : vector<16xi32>
    %select_n3A_363 = arith.select %lt3A_359, %get3A_351, %add3A_362 : vector<16xi1>, vector<16xi32>
    %swap3A_364 = arith.constant 1 : i32
    %swap3A_365 = arith.index_cast %swap3A_364 : i32 to index
    %swap3A_366 = arith.constant 80 : index
    %swap3A_367 = tpu.vector_load %arg5[%swap3A_365, %swap3A_366] {strides = array<i32>} : memref<5x128xi32, #tpu.memory_space<vmem>>, vector<1x16xi32>,
    %swap3A_368 = vector.shape_cast %swap3A_367 : vector<1x16xi32> to vector<16xi32>
    %swap3A_369 = vector.shape_cast %select_n3A_363 : vector<16xi32> to vector<1x16xi32>
    tpu.vector_store %arg5[%swap3A_365, %swap3A_366], %swap3A_369 {strides = array<i32>} : memref<5x128xi32, #tpu.memory_space<vmem>>, vector<1x16xi32>,
    %swap3A_370 = arith.constant 1 : i32
    %swap3A_371 = arith.index_cast %swap3A_370 : i32 to index
    %swap3A_372 = arith.constant 80 : index
    %swap3A_373 = tpu.vector_load %arg6[%swap3A_371, %swap3A_372] {strides = array<i32>} : memref<5x128xi32, #tpu.memory_space<vmem>>, vector<1x16xi32>,
    %swap3A_374 = vector.shape_cast %swap3A_373 : vector<1x16xi32> to vector<16xi32>
    %swap3A_375 = vector.shape_cast %add3A_356 : vector<16xi32> to vector<1x16xi32>
    tpu.vector_store %arg6[%swap3A_371, %swap3A_372], %swap3A_375 {strides = array<i32>} : memref<5x128xi32, #tpu.memory_space<vmem>>, vector<1x16xi32>,
    %get3A_376 = arith.constant 224 : index
    %get3A_377 = tpu.vector_load %arg4[%get3A_376] {strides = array<i32>} : memref<640xi32, #tpu.memory_space<vmem>>, vector<16xi32>,
    %get3A_378 = vector.shape_cast %get3A_377 : vector<16xi32> to vector<16xi32>
    %add3A_379 = arith.constant 224 : i32
    %add3A_380 = arith.addi %mul3A_2, %add3A_379 : i32
    %iota3A_381 = tpu.iota {dimensions = array<i32: 0>} : vector<16xi32>
    %add3A_382 = vector.broadcast %add3A_380 : i32 to vector<16xi32>
    %add3A_383 = arith.addi %add3A_382, %iota3A_381 : vector<16xi32>
    %lt3A_384 = arith.constant 2048 : i32
    %lt3A_385 = vector.broadcast %lt3A_384 : i32 to vector<16xi32>
    %lt3A_386 = arith.cmpi slt, %get3A_378, %lt3A_385 : vector<16xi32>
    %add3A_387 = arith.constant 2048 : i32
    %add3A_388 = vector.broadcast %add3A_387 : i32 to vector<16xi32>
    %add3A_389 = arith.addi %add3A_388, %add3A_383 : vector<16xi32>
    %select_n3A_390 = arith.select %lt3A_386, %get3A_378, %add3A_389 : vector<16xi1>, vector<16xi32>
    %swap3A_391 = arith.constant 1 : i32
    %swap3A_392 = arith.index_cast %swap3A_391 : i32 to index
    %swap3A_393 = arith.constant 96 : index
    %swap3A_394 = tpu.vector_load %arg5[%swap3A_392, %swap3A_393] {strides = array<i32>} : memref<5x128xi32, #tpu.memory_space<vmem>>, vector<1x16xi32>,
    %swap3A_395 = vector.shape_cast %swap3A_394 : vector<1x16xi32> to vector<16xi32>
    %swap3A_396 = vector.shape_cast %select_n3A_390 : vector<16xi32> to vector<1x16xi32>
    tpu.vector_store %arg5[%swap3A_392, %swap3A_393], %swap3A_396 {strides = array<i32>} : memref<5x128xi32, #tpu.memory_space<vmem>>, vector<1x16xi32>,
    %swap3A_397 = arith.constant 1 : i32
    %swap3A_398 = arith.index_cast %swap3A_397 : i32 to index
    %swap3A_399 = arith.constant 96 : index
    %swap3A_400 = tpu.vector_load %arg6[%swap3A_398, %swap3A_399] {strides = array<i32>} : memref<5x128xi32, #tpu.memory_space<vmem>>, vector<1x16xi32>,
    %swap3A_401 = vector.shape_cast %swap3A_400 : vector<1x16xi32> to vector<16xi32>
    %swap3A_402 = vector.shape_cast %add3A_383 : vector<16xi32> to vector<1x16xi32>
    tpu.vector_store %arg6[%swap3A_398, %swap3A_399], %swap3A_402 {strides = array<i32>} : memref<5x128xi32, #tpu.memory_space<vmem>>, vector<1x16xi32>,
    %get3A_403 = arith.constant 240 : index
    %get3A_404 = tpu.vector_load %arg4[%get3A_403] {strides = array<i32>} : memref<640xi32, #tpu.memory_space<vmem>>, vector<16xi32>,
    %get3A_405 = vector.shape_cast %get3A_404 : vector<16xi32> to vector<16xi32>
    %add3A_406 = arith.constant 240 : i32
    %add3A_407 = arith.addi %mul3A_2, %add3A_406 : i32
    %iota3A_408 = tpu.iota {dimensions = array<i32: 0>} : vector<16xi32>
    %add3A_409 = vector.broadcast %add3A_407 : i32 to vector<16xi32>
    %add3A_410 = arith.addi %add3A_409, %iota3A_408 : vector<16xi32>
    %lt3A_411 = arith.constant 2048 : i32
    %lt3A_412 = vector.broadcast %lt3A_411 : i32 to vector<16xi32>
    %lt3A_413 = arith.cmpi slt, %get3A_405, %lt3A_412 : vector<16xi32>
    %add3A_414 = arith.constant 2048 : i32
    %add3A_415 = vector.broadcast %add3A_414 : i32 to vector<16xi32>
    %add3A_416 = arith.addi %add3A_415, %add3A_410 : vector<16xi32>
    %select_n3A_417 = arith.select %lt3A_413, %get3A_405, %add3A_416 : vector<16xi1>, vector<16xi32>
    %swap3A_418 = arith.constant 1 : i32
    %swap3A_419 = arith.index_cast %swap3A_418 : i32 to index
    %swap3A_420 = arith.constant 112 : index
    %swap3A_421 = tpu.vector_load %arg5[%swap3A_419, %swap3A_420] {strides = array<i32>} : memref<5x128xi32, #tpu.memory_space<vmem>>, vector<1x16xi32>,
    %swap3A_422 = vector.shape_cast %swap3A_421 : vector<1x16xi32> to vector<16xi32>
    %swap3A_423 = vector.shape_cast %select_n3A_417 : vector<16xi32> to vector<1x16xi32>
    tpu.vector_store %arg5[%swap3A_419, %swap3A_420], %swap3A_423 {strides = array<i32>} : memref<5x128xi32, #tpu.memory_space<vmem>>, vector<1x16xi32>,
    %swap3A_424 = arith.constant 1 : i32
    %swap3A_425 = arith.index_cast %swap3A_424 : i32 to index
    %swap3A_426 = arith.constant 112 : index
    %swap3A_427 = tpu.vector_load %arg6[%swap3A_425, %swap3A_426] {strides = array<i32>} : memref<5x128xi32, #tpu.memory_space<vmem>>, vector<1x16xi32>,
    %swap3A_428 = vector.shape_cast %swap3A_427 : vector<1x16xi32> to vector<16xi32>
    %swap3A_429 = vector.shape_cast %add3A_410 : vector<16xi32> to vector<1x16xi32>
    tpu.vector_store %arg6[%swap3A_425, %swap3A_426], %swap3A_429 {strides = array<i32>} : memref<5x128xi32, #tpu.memory_space<vmem>>, vector<1x16xi32>,
    %get3A_430 = arith.constant 256 : index
    %get3A_431 = tpu.vector_load %arg4[%get3A_430] {strides = array<i32>} : memref<640xi32, #tpu.memory_space<vmem>>, vector<16xi32>,
    %get3A_432 = vector.shape_cast %get3A_431 : vector<16xi32> to vector<16xi32>
    %add3A_433 = arith.constant 256 : i32
    %add3A_434 = arith.addi %mul3A_2, %add3A_433 : i32
    %iota3A_435 = tpu.iota {dimensions = array<i32: 0>} : vector<16xi32>
    %add3A_436 = vector.broadcast %add3A_434 : i32 to vector<16xi32>
    %add3A_437 = arith.addi %add3A_436, %iota3A_435 : vector<16xi32>
    %lt3A_438 = arith.constant 2048 : i32
    %lt3A_439 = vector.broadcast %lt3A_438 : i32 to vector<16xi32>
    %lt3A_440 = arith.cmpi slt, %get3A_432, %lt3A_439 : vector<16xi32>
    %add3A_441 = arith.constant 2048 : i32
    %add3A_442 = vector.broadcast %add3A_441 : i32 to vector<16xi32>
    %add3A_443 = arith.addi %add3A_442, %add3A_437 : vector<16xi32>
    %select_n3A_444 = arith.select %lt3A_440, %get3A_432, %add3A_443 : vector<16xi1>, vector<16xi32>
    %swap3A_445 = arith.constant 2 : i32
    %swap3A_446 = arith.index_cast %swap3A_445 : i32 to index
    %swap3A_447 = arith.constant 0 : index
    %swap3A_448 = tpu.vector_load %arg5[%swap3A_446, %swap3A_447] {strides = array<i32>} : memref<5x128xi32, #tpu.memory_space<vmem>>, vector<1x16xi32>,
    %swap3A_449 = vector.shape_cast %swap3A_448 : vector<1x16xi32> to vector<16xi32>
    %swap3A_450 = vector.shape_cast %select_n3A_444 : vector<16xi32> to vector<1x16xi32>
    tpu.vector_store %arg5[%swap3A_446, %swap3A_447], %swap3A_450 {strides = array<i32>} : memref<5x128xi32, #tpu.memory_space<vmem>>, vector<1x16xi32>,
    %swap3A_451 = arith.constant 2 : i32
    %swap3A_452 = arith.index_cast %swap3A_451 : i32 to index
    %swap3A_453 = arith.constant 0 : index
    %swap3A_454 = tpu.vector_load %arg6[%swap3A_452, %swap3A_453] {strides = array<i32>} : memref<5x128xi32, #tpu.memory_space<vmem>>, vector<1x16xi32>,
    %swap3A_455 = vector.shape_cast %swap3A_454 : vector<1x16xi32> to vector<16xi32>
    %swap3A_456 = vector.shape_cast %add3A_437 : vector<16xi32> to vector<1x16xi32>
    tpu.vector_store %arg6[%swap3A_452, %swap3A_453], %swap3A_456 {strides = array<i32>} : memref<5x128xi32, #tpu.memory_space<vmem>>, vector<1x16xi32>,
    %get3A_457 = arith.constant 272 : index
    %get3A_458 = tpu.vector_load %arg4[%get3A_457] {strides = array<i32>} : memref<640xi32, #tpu.memory_space<vmem>>, vector<16xi32>,
    %get3A_459 = vector.shape_cast %get3A_458 : vector<16xi32> to vector<16xi32>
    %add3A_460 = arith.constant 272 : i32
    %add3A_461 = arith.addi %mul3A_2, %add3A_460 : i32
    %iota3A_462 = tpu.iota {dimensions = array<i32: 0>} : vector<16xi32>
    %add3A_463 = vector.broadcast %add3A_461 : i32 to vector<16xi32>
    %add3A_464 = arith.addi %add3A_463, %iota3A_462 : vector<16xi32>
    %lt3A_465 = arith.constant 2048 : i32
    %lt3A_466 = vector.broadcast %lt3A_465 : i32 to vector<16xi32>
    %lt3A_467 = arith.cmpi slt, %get3A_459, %lt3A_466 : vector<16xi32>
    %add3A_468 = arith.constant 2048 : i32
    %add3A_469 = vector.broadcast %add3A_468 : i32 to vector<16xi32>
    %add3A_470 = arith.addi %add3A_469, %add3A_464 : vector<16xi32>
    %select_n3A_471 = arith.select %lt3A_467, %get3A_459, %add3A_470 : vector<16xi1>, vector<16xi32>
    %swap3A_472 = arith.constant 2 : i32
    %swap3A_473 = arith.index_cast %swap3A_472 : i32 to index
    %swap3A_474 = arith.constant 16 : index
    %swap3A_475 = tpu.vector_load %arg5[%swap3A_473, %swap3A_474] {strides = array<i32>} : memref<5x128xi32, #tpu.memory_space<vmem>>, vector<1x16xi32>,
    %swap3A_476 = vector.shape_cast %swap3A_475 : vector<1x16xi32> to vector<16xi32>
    %swap3A_477 = vector.shape_cast %select_n3A_471 : vector<16xi32> to vector<1x16xi32>
    tpu.vector_store %arg5[%swap3A_473, %swap3A_474], %swap3A_477 {strides = array<i32>} : memref<5x128xi32, #tpu.memory_space<vmem>>, vector<1x16xi32>,
    %swap3A_478 = arith.constant 2 : i32
    %swap3A_479 = arith.index_cast %swap3A_478 : i32 to index
    %swap3A_480 = arith.constant 16 : index
    %swap3A_481 = tpu.vector_load %arg6[%swap3A_479, %swap3A_480] {strides = array<i32>} : memref<5x128xi32, #tpu.memory_space<vmem>>, vector<1x16xi32>,
    %swap3A_482 = vector.shape_cast %swap3A_481 : vector<1x16xi32> to vector<16xi32>
    %swap3A_483 = vector.shape_cast %add3A_464 : vector<16xi32> to vector<1x16xi32>
    tpu.vector_store %arg6[%swap3A_479, %swap3A_480], %swap3A_483 {strides = array<i32>} : memref<5x128xi32, #tpu.memory_space<vmem>>, vector<1x16xi32>,
    %get3A_484 = arith.constant 288 : index
    %get3A_485 = tpu.vector_load %arg4[%get3A_484] {strides = array<i32>} : memref<640xi32, #tpu.memory_space<vmem>>, vector<16xi32>,
    %get3A_486 = vector.shape_cast %get3A_485 : vector<16xi32> to vector<16xi32>
    %add3A_487 = arith.constant 288 : i32
    %add3A_488 = arith.addi %mul3A_2, %add3A_487 : i32
    %iota3A_489 = tpu.iota {dimensions = array<i32: 0>} : vector<16xi32>
    %add3A_490 = vector.broadcast %add3A_488 : i32 to vector<16xi32>
    %add3A_491 = arith.addi %add3A_490, %iota3A_489 : vector<16xi32>
    %lt3A_492 = arith.constant 2048 : i32
    %lt3A_493 = vector.broadcast %lt3A_492 : i32 to vector<16xi32>
    %lt3A_494 = arith.cmpi slt, %get3A_486, %lt3A_493 : vector<16xi32>
    %add3A_495 = arith.constant 2048 : i32
    %add3A_496 = vector.broadcast %add3A_495 : i32 to vector<16xi32>
    %add3A_497 = arith.addi %add3A_496, %add3A_491 : vector<16xi32>
    %select_n3A_498 = arith.select %lt3A_494, %get3A_486, %add3A_497 : vector<16xi1>, vector<16xi32>
    %swap3A_499 = arith.constant 2 : i32
    %swap3A_500 = arith.index_cast %swap3A_499 : i32 to index
    %swap3A_501 = arith.constant 32 : index
    %swap3A_502 = tpu.vector_load %arg5[%swap3A_500, %swap3A_501] {strides = array<i32>} : memref<5x128xi32, #tpu.memory_space<vmem>>, vector<1x16xi32>,
    %swap3A_503 = vector.shape_cast %swap3A_502 : vector<1x16xi32> to vector<16xi32>
    %swap3A_504 = vector.shape_cast %select_n3A_498 : vector<16xi32> to vector<1x16xi32>
    tpu.vector_store %arg5[%swap3A_500, %swap3A_501], %swap3A_504 {strides = array<i32>} : memref<5x128xi32, #tpu.memory_space<vmem>>, vector<1x16xi32>,
    %swap3A_505 = arith.constant 2 : i32
    %swap3A_506 = arith.index_cast %swap3A_505 : i32 to index
    %swap3A_507 = arith.constant 32 : index
    %swap3A_508 = tpu.vector_load %arg6[%swap3A_506, %swap3A_507] {strides = array<i32>} : memref<5x128xi32, #tpu.memory_space<vmem>>, vector<1x16xi32>,
    %swap3A_509 = vector.shape_cast %swap3A_508 : vector<1x16xi32> to vector<16xi32>
    %swap3A_510 = vector.shape_cast %add3A_491 : vector<16xi32> to vector<1x16xi32>
    tpu.vector_store %arg6[%swap3A_506, %swap3A_507], %swap3A_510 {strides = array<i32>} : memref<5x128xi32, #tpu.memory_space<vmem>>, vector<1x16xi32>,
    %get3A_511 = arith.constant 304 : index
    %get3A_512 = tpu.vector_load %arg4[%get3A_511] {strides = array<i32>} : memref<640xi32, #tpu.memory_space<vmem>>, vector<16xi32>,
    %get3A_513 = vector.shape_cast %get3A_512 : vector<16xi32> to vector<16xi32>
    %add3A_514 = arith.constant 304 : i32
    %add3A_515 = arith.addi %mul3A_2, %add3A_514 : i32
    %iota3A_516 = tpu.iota {dimensions = array<i32: 0>} : vector<16xi32>
    %add3A_517 = vector.broadcast %add3A_515 : i32 to vector<16xi32>
    %add3A_518 = arith.addi %add3A_517, %iota3A_516 : vector<16xi32>
    %lt3A_519 = arith.constant 2048 : i32
    %lt3A_520 = vector.broadcast %lt3A_519 : i32 to vector<16xi32>
    %lt3A_521 = arith.cmpi slt, %get3A_513, %lt3A_520 : vector<16xi32>
    %add3A_522 = arith.constant 2048 : i32
    %add3A_523 = vector.broadcast %add3A_522 : i32 to vector<16xi32>
    %add3A_524 = arith.addi %add3A_523, %add3A_518 : vector<16xi32>
    %select_n3A_525 = arith.select %lt3A_521, %get3A_513, %add3A_524 : vector<16xi1>, vector<16xi32>
    %swap3A_526 = arith.constant 2 : i32
    %swap3A_527 = arith.index_cast %swap3A_526 : i32 to index
    %swap3A_528 = arith.constant 48 : index
    %swap3A_529 = tpu.vector_load %arg5[%swap3A_527, %swap3A_528] {strides = array<i32>} : memref<5x128xi32, #tpu.memory_space<vmem>>, vector<1x16xi32>,
    %swap3A_530 = vector.shape_cast %swap3A_529 : vector<1x16xi32> to vector<16xi32>
    %swap3A_531 = vector.shape_cast %select_n3A_525 : vector<16xi32> to vector<1x16xi32>
    tpu.vector_store %arg5[%swap3A_527, %swap3A_528], %swap3A_531 {strides = array<i32>} : memref<5x128xi32, #tpu.memory_space<vmem>>, vector<1x16xi32>,
    %swap3A_532 = arith.constant 2 : i32
    %swap3A_533 = arith.index_cast %swap3A_532 : i32 to index
    %swap3A_534 = arith.constant 48 : index
    %swap3A_535 = tpu.vector_load %arg6[%swap3A_533, %swap3A_534] {strides = array<i32>} : memref<5x128xi32, #tpu.memory_space<vmem>>, vector<1x16xi32>,
    %swap3A_536 = vector.shape_cast %swap3A_535 : vector<1x16xi32> to vector<16xi32>
    %swap3A_537 = vector.shape_cast %add3A_518 : vector<16xi32> to vector<1x16xi32>
    tpu.vector_store %arg6[%swap3A_533, %swap3A_534], %swap3A_537 {strides = array<i32>} : memref<5x128xi32, #tpu.memory_space<vmem>>, vector<1x16xi32>,
    %get3A_538 = arith.constant 320 : index
    %get3A_539 = tpu.vector_load %arg4[%get3A_538] {strides = array<i32>} : memref<640xi32, #tpu.memory_space<vmem>>, vector<16xi32>,
    %get3A_540 = vector.shape_cast %get3A_539 : vector<16xi32> to vector<16xi32>
    %add3A_541 = arith.constant 320 : i32
    %add3A_542 = arith.addi %mul3A_2, %add3A_541 : i32
    %iota3A_543 = tpu.iota {dimensions = array<i32: 0>} : vector<16xi32>
    %add3A_544 = vector.broadcast %add3A_542 : i32 to vector<16xi32>
    %add3A_545 = arith.addi %add3A_544, %iota3A_543 : vector<16xi32>
    %lt3A_546 = arith.constant 2048 : i32
    %lt3A_547 = vector.broadcast %lt3A_546 : i32 to vector<16xi32>
    %lt3A_548 = arith.cmpi slt, %get3A_540, %lt3A_547 : vector<16xi32>
    %add3A_549 = arith.constant 2048 : i32
    %add3A_550 = vector.broadcast %add3A_549 : i32 to vector<16xi32>
    %add3A_551 = arith.addi %add3A_550, %add3A_545 : vector<16xi32>
    %select_n3A_552 = arith.select %lt3A_548, %get3A_540, %add3A_551 : vector<16xi1>, vector<16xi32>
    %swap3A_553 = arith.constant 2 : i32
    %swap3A_554 = arith.index_cast %swap3A_553 : i32 to index
    %swap3A_555 = arith.constant 64 : index
    %swap3A_556 = tpu.vector_load %arg5[%swap3A_554, %swap3A_555] {strides = array<i32>} : memref<5x128xi32, #tpu.memory_space<vmem>>, vector<1x16xi32>,
    %swap3A_557 = vector.shape_cast %swap3A_556 : vector<1x16xi32> to vector<16xi32>
    %swap3A_558 = vector.shape_cast %select_n3A_552 : vector<16xi32> to vector<1x16xi32>
    tpu.vector_store %arg5[%swap3A_554, %swap3A_555], %swap3A_558 {strides = array<i32>} : memref<5x128xi32, #tpu.memory_space<vmem>>, vector<1x16xi32>,
    %swap3A_559 = arith.constant 2 : i32
    %swap3A_560 = arith.index_cast %swap3A_559 : i32 to index
    %swap3A_561 = arith.constant 64 : index
    %swap3A_562 = tpu.vector_load %arg6[%swap3A_560, %swap3A_561] {strides = array<i32>} : memref<5x128xi32, #tpu.memory_space<vmem>>, vector<1x16xi32>,
    %swap3A_563 = vector.shape_cast %swap3A_562 : vector<1x16xi32> to vector<16xi32>
    %swap3A_564 = vector.shape_cast %add3A_545 : vector<16xi32> to vector<1x16xi32>
    tpu.vector_store %arg6[%swap3A_560, %swap3A_561], %swap3A_564 {strides = array<i32>} : memref<5x128xi32, #tpu.memory_space<vmem>>, vector<1x16xi32>,
    %get3A_565 = arith.constant 336 : index
    %get3A_566 = tpu.vector_load %arg4[%get3A_565] {strides = array<i32>} : memref<640xi32, #tpu.memory_space<vmem>>, vector<16xi32>,
    %get3A_567 = vector.shape_cast %get3A_566 : vector<16xi32> to vector<16xi32>
    %add3A_568 = arith.constant 336 : i32
    %add3A_569 = arith.addi %mul3A_2, %add3A_568 : i32
    %iota3A_570 = tpu.iota {dimensions = array<i32: 0>} : vector<16xi32>
    %add3A_571 = vector.broadcast %add3A_569 : i32 to vector<16xi32>
    %add3A_572 = arith.addi %add3A_571, %iota3A_570 : vector<16xi32>
    %lt3A_573 = arith.constant 2048 : i32
    %lt3A_574 = vector.broadcast %lt3A_573 : i32 to vector<16xi32>
    %lt3A_575 = arith.cmpi slt, %get3A_567, %lt3A_574 : vector<16xi32>
    %add3A_576 = arith.constant 2048 : i32
    %add3A_577 = vector.broadcast %add3A_576 : i32 to vector<16xi32>
    %add3A_578 = arith.addi %add3A_577, %add3A_572 : vector<16xi32>
    %select_n3A_579 = arith.select %lt3A_575, %get3A_567, %add3A_578 : vector<16xi1>, vector<16xi32>
    %swap3A_580 = arith.constant 2 : i32
    %swap3A_581 = arith.index_cast %swap3A_580 : i32 to index
    %swap3A_582 = arith.constant 80 : index
    %swap3A_583 = tpu.vector_load %arg5[%swap3A_581, %swap3A_582] {strides = array<i32>} : memref<5x128xi32, #tpu.memory_space<vmem>>, vector<1x16xi32>,
    %swap3A_584 = vector.shape_cast %swap3A_583 : vector<1x16xi32> to vector<16xi32>
    %swap3A_585 = vector.shape_cast %select_n3A_579 : vector<16xi32> to vector<1x16xi32>
    tpu.vector_store %arg5[%swap3A_581, %swap3A_582], %swap3A_585 {strides = array<i32>} : memref<5x128xi32, #tpu.memory_space<vmem>>, vector<1x16xi32>,
    %swap3A_586 = arith.constant 2 : i32
    %swap3A_587 = arith.index_cast %swap3A_586 : i32 to index
    %swap3A_588 = arith.constant 80 : index
    %swap3A_589 = tpu.vector_load %arg6[%swap3A_587, %swap3A_588] {strides = array<i32>} : memref<5x128xi32, #tpu.memory_space<vmem>>, vector<1x16xi32>,
    %swap3A_590 = vector.shape_cast %swap3A_589 : vector<1x16xi32> to vector<16xi32>
    %swap3A_591 = vector.shape_cast %add3A_572 : vector<16xi32> to vector<1x16xi32>
    tpu.vector_store %arg6[%swap3A_587, %swap3A_588], %swap3A_591 {strides = array<i32>} : memref<5x128xi32, #tpu.memory_space<vmem>>, vector<1x16xi32>,
    %get3A_592 = arith.constant 352 : index
    %get3A_593 = tpu.vector_load %arg4[%get3A_592] {strides = array<i32>} : memref<640xi32, #tpu.memory_space<vmem>>, vector<16xi32>,
    %get3A_594 = vector.shape_cast %get3A_593 : vector<16xi32> to vector<16xi32>
    %add3A_595 = arith.constant 352 : i32
    %add3A_596 = arith.addi %mul3A_2, %add3A_595 : i32
    %iota3A_597 = tpu.iota {dimensions = array<i32: 0>} : vector<16xi32>
    %add3A_598 = vector.broadcast %add3A_596 : i32 to vector<16xi32>
    %add3A_599 = arith.addi %add3A_598, %iota3A_597 : vector<16xi32>
    %lt3A_600 = arith.constant 2048 : i32
    %lt3A_601 = vector.broadcast %lt3A_600 : i32 to vector<16xi32>
    %lt3A_602 = arith.cmpi slt, %get3A_594, %lt3A_601 : vector<16xi32>
    %add3A_603 = arith.constant 2048 : i32
    %add3A_604 = vector.broadcast %add3A_603 : i32 to vector<16xi32>
    %add3A_605 = arith.addi %add3A_604, %add3A_599 : vector<16xi32>
    %select_n3A_606 = arith.select %lt3A_602, %get3A_594, %add3A_605 : vector<16xi1>, vector<16xi32>
    %swap3A_607 = arith.constant 2 : i32
    %swap3A_608 = arith.index_cast %swap3A_607 : i32 to index
    %swap3A_609 = arith.constant 96 : index
    %swap3A_610 = tpu.vector_load %arg5[%swap3A_608, %swap3A_609] {strides = array<i32>} : memref<5x128xi32, #tpu.memory_space<vmem>>, vector<1x16xi32>,
    %swap3A_611 = vector.shape_cast %swap3A_610 : vector<1x16xi32> to vector<16xi32>
    %swap3A_612 = vector.shape_cast %select_n3A_606 : vector<16xi32> to vector<1x16xi32>
    tpu.vector_store %arg5[%swap3A_608, %swap3A_609], %swap3A_612 {strides = array<i32>} : memref<5x128xi32, #tpu.memory_space<vmem>>, vector<1x16xi32>,
    %swap3A_613 = arith.constant 2 : i32
    %swap3A_614 = arith.index_cast %swap3A_613 : i32 to index
    %swap3A_615 = arith.constant 96 : index
    %swap3A_616 = tpu.vector_load %arg6[%swap3A_614, %swap3A_615] {strides = array<i32>} : memref<5x128xi32, #tpu.memory_space<vmem>>, vector<1x16xi32>,
    %swap3A_617 = vector.shape_cast %swap3A_616 : vector<1x16xi32> to vector<16xi32>
    %swap3A_618 = vector.shape_cast %add3A_599 : vector<16xi32> to vector<1x16xi32>
    tpu.vector_store %arg6[%swap3A_614, %swap3A_615], %swap3A_618 {strides = array<i32>} : memref<5x128xi32, #tpu.memory_space<vmem>>, vector<1x16xi32>,
    %get3A_619 = arith.constant 368 : index
    %get3A_620 = tpu.vector_load %arg4[%get3A_619] {strides = array<i32>} : memref<640xi32, #tpu.memory_space<vmem>>, vector<16xi32>,
    %get3A_621 = vector.shape_cast %get3A_620 : vector<16xi32> to vector<16xi32>
    %add3A_622 = arith.constant 368 : i32
    %add3A_623 = arith.addi %mul3A_2, %add3A_622 : i32
    %iota3A_624 = tpu.iota {dimensions = array<i32: 0>} : vector<16xi32>
    %add3A_625 = vector.broadcast %add3A_623 : i32 to vector<16xi32>
    %add3A_626 = arith.addi %add3A_625, %iota3A_624 : vector<16xi32>
    %lt3A_627 = arith.constant 2048 : i32
    %lt3A_628 = vector.broadcast %lt3A_627 : i32 to vector<16xi32>
    %lt3A_629 = arith.cmpi slt, %get3A_621, %lt3A_628 : vector<16xi32>
    %add3A_630 = arith.constant 2048 : i32
    %add3A_631 = vector.broadcast %add3A_630 : i32 to vector<16xi32>
    %add3A_632 = arith.addi %add3A_631, %add3A_626 : vector<16xi32>
    %select_n3A_633 = arith.select %lt3A_629, %get3A_621, %add3A_632 : vector<16xi1>, vector<16xi32>
    %swap3A_634 = arith.constant 2 : i32
    %swap3A_635 = arith.index_cast %swap3A_634 : i32 to index
    %swap3A_636 = arith.constant 112 : index
    %swap3A_637 = tpu.vector_load %arg5[%swap3A_635, %swap3A_636] {strides = array<i32>} : memref<5x128xi32, #tpu.memory_space<vmem>>, vector<1x16xi32>,
    %swap3A_638 = vector.shape_cast %swap3A_637 : vector<1x16xi32> to vector<16xi32>
    %swap3A_639 = vector.shape_cast %select_n3A_633 : vector<16xi32> to vector<1x16xi32>
    tpu.vector_store %arg5[%swap3A_635, %swap3A_636], %swap3A_639 {strides = array<i32>} : memref<5x128xi32, #tpu.memory_space<vmem>>, vector<1x16xi32>,
    %swap3A_640 = arith.constant 2 : i32
    %swap3A_641 = arith.index_cast %swap3A_640 : i32 to index
    %swap3A_642 = arith.constant 112 : index
    %swap3A_643 = tpu.vector_load %arg6[%swap3A_641, %swap3A_642] {strides = array<i32>} : memref<5x128xi32, #tpu.memory_space<vmem>>, vector<1x16xi32>,
    %swap3A_644 = vector.shape_cast %swap3A_643 : vector<1x16xi32> to vector<16xi32>
    %swap3A_645 = vector.shape_cast %add3A_626 : vector<16xi32> to vector<1x16xi32>
    tpu.vector_store %arg6[%swap3A_641, %swap3A_642], %swap3A_645 {strides = array<i32>} : memref<5x128xi32, #tpu.memory_space<vmem>>, vector<1x16xi32>,
    %get3A_646 = arith.constant 384 : index
    %get3A_647 = tpu.vector_load %arg4[%get3A_646] {strides = array<i32>} : memref<640xi32, #tpu.memory_space<vmem>>, vector<16xi32>,
    %get3A_648 = vector.shape_cast %get3A_647 : vector<16xi32> to vector<16xi32>
    %add3A_649 = arith.constant 384 : i32
    %add3A_650 = arith.addi %mul3A_2, %add3A_649 : i32
    %iota3A_651 = tpu.iota {dimensions = array<i32: 0>} : vector<16xi32>
    %add3A_652 = vector.broadcast %add3A_650 : i32 to vector<16xi32>
    %add3A_653 = arith.addi %add3A_652, %iota3A_651 : vector<16xi32>
    %lt3A_654 = arith.constant 2048 : i32
    %lt3A_655 = vector.broadcast %lt3A_654 : i32 to vector<16xi32>
    %lt3A_656 = arith.cmpi slt, %get3A_648, %lt3A_655 : vector<16xi32>
    %add3A_657 = arith.constant 2048 : i32
    %add3A_658 = vector.broadcast %add3A_657 : i32 to vector<16xi32>
    %add3A_659 = arith.addi %add3A_658, %add3A_653 : vector<16xi32>
    %select_n3A_660 = arith.select %lt3A_656, %get3A_648, %add3A_659 : vector<16xi1>, vector<16xi32>
    %swap3A_661 = arith.constant 3 : i32
    %swap3A_662 = arith.index_cast %swap3A_661 : i32 to index
    %swap3A_663 = arith.constant 0 : index
    %swap3A_664 = tpu.vector_load %arg5[%swap3A_662, %swap3A_663] {strides = array<i32>} : memref<5x128xi32, #tpu.memory_space<vmem>>, vector<1x16xi32>,
    %swap3A_665 = vector.shape_cast %swap3A_664 : vector<1x16xi32> to vector<16xi32>
    %swap3A_666 = vector.shape_cast %select_n3A_660 : vector<16xi32> to vector<1x16xi32>
    tpu.vector_store %arg5[%swap3A_662, %swap3A_663], %swap3A_666 {strides = array<i32>} : memref<5x128xi32, #tpu.memory_space<vmem>>, vector<1x16xi32>,
    %swap3A_667 = arith.constant 3 : i32
    %swap3A_668 = arith.index_cast %swap3A_667 : i32 to index
    %swap3A_669 = arith.constant 0 : index
    %swap3A_670 = tpu.vector_load %arg6[%swap3A_668, %swap3A_669] {strides = array<i32>} : memref<5x128xi32, #tpu.memory_space<vmem>>, vector<1x16xi32>,
    %swap3A_671 = vector.shape_cast %swap3A_670 : vector<1x16xi32> to vector<16xi32>
    %swap3A_672 = vector.shape_cast %add3A_653 : vector<16xi32> to vector<1x16xi32>
    tpu.vector_store %arg6[%swap3A_668, %swap3A_669], %swap3A_672 {strides = array<i32>} : memref<5x128xi32, #tpu.memory_space<vmem>>, vector<1x16xi32>,
    %get3A_673 = arith.constant 400 : index
    %get3A_674 = tpu.vector_load %arg4[%get3A_673] {strides = array<i32>} : memref<640xi32, #tpu.memory_space<vmem>>, vector<16xi32>,
    %get3A_675 = vector.shape_cast %get3A_674 : vector<16xi32> to vector<16xi32>
    %add3A_676 = arith.constant 400 : i32
    %add3A_677 = arith.addi %mul3A_2, %add3A_676 : i32
    %iota3A_678 = tpu.iota {dimensions = array<i32: 0>} : vector<16xi32>
    %add3A_679 = vector.broadcast %add3A_677 : i32 to vector<16xi32>
    %add3A_680 = arith.addi %add3A_679, %iota3A_678 : vector<16xi32>
    %lt3A_681 = arith.constant 2048 : i32
    %lt3A_682 = vector.broadcast %lt3A_681 : i32 to vector<16xi32>
    %lt3A_683 = arith.cmpi slt, %get3A_675, %lt3A_682 : vector<16xi32>
    %add3A_684 = arith.constant 2048 : i32
    %add3A_685 = vector.broadcast %add3A_684 : i32 to vector<16xi32>
    %add3A_686 = arith.addi %add3A_685, %add3A_680 : vector<16xi32>
    %select_n3A_687 = arith.select %lt3A_683, %get3A_675, %add3A_686 : vector<16xi1>, vector<16xi32>
    %swap3A_688 = arith.constant 3 : i32
    %swap3A_689 = arith.index_cast %swap3A_688 : i32 to index
    %swap3A_690 = arith.constant 16 : index
    %swap3A_691 = tpu.vector_load %arg5[%swap3A_689, %swap3A_690] {strides = array<i32>} : memref<5x128xi32, #tpu.memory_space<vmem>>, vector<1x16xi32>,
    %swap3A_692 = vector.shape_cast %swap3A_691 : vector<1x16xi32> to vector<16xi32>
    %swap3A_693 = vector.shape_cast %select_n3A_687 : vector<16xi32> to vector<1x16xi32>
    tpu.vector_store %arg5[%swap3A_689, %swap3A_690], %swap3A_693 {strides = array<i32>} : memref<5x128xi32, #tpu.memory_space<vmem>>, vector<1x16xi32>,
    %swap3A_694 = arith.constant 3 : i32
    %swap3A_695 = arith.index_cast %swap3A_694 : i32 to index
    %swap3A_696 = arith.constant 16 : index
    %swap3A_697 = tpu.vector_load %arg6[%swap3A_695, %swap3A_696] {strides = array<i32>} : memref<5x128xi32, #tpu.memory_space<vmem>>, vector<1x16xi32>,
    %swap3A_698 = vector.shape_cast %swap3A_697 : vector<1x16xi32> to vector<16xi32>
    %swap3A_699 = vector.shape_cast %add3A_680 : vector<16xi32> to vector<1x16xi32>
    tpu.vector_store %arg6[%swap3A_695, %swap3A_696], %swap3A_699 {strides = array<i32>} : memref<5x128xi32, #tpu.memory_space<vmem>>, vector<1x16xi32>,
    %get3A_700 = arith.constant 416 : index
    %get3A_701 = tpu.vector_load %arg4[%get3A_700] {strides = array<i32>} : memref<640xi32, #tpu.memory_space<vmem>>, vector<16xi32>,
    %get3A_702 = vector.shape_cast %get3A_701 : vector<16xi32> to vector<16xi32>
    %add3A_703 = arith.constant 416 : i32
    %add3A_704 = arith.addi %mul3A_2, %add3A_703 : i32
    %iota3A_705 = tpu.iota {dimensions = array<i32: 0>} : vector<16xi32>
    %add3A_706 = vector.broadcast %add3A_704 : i32 to vector<16xi32>
    %add3A_707 = arith.addi %add3A_706, %iota3A_705 : vector<16xi32>
    %lt3A_708 = arith.constant 2048 : i32
    %lt3A_709 = vector.broadcast %lt3A_708 : i32 to vector<16xi32>
    %lt3A_710 = arith.cmpi slt, %get3A_702, %lt3A_709 : vector<16xi32>
    %add3A_711 = arith.constant 2048 : i32
    %add3A_712 = vector.broadcast %add3A_711 : i32 to vector<16xi32>
    %add3A_713 = arith.addi %add3A_712, %add3A_707 : vector<16xi32>
    %select_n3A_714 = arith.select %lt3A_710, %get3A_702, %add3A_713 : vector<16xi1>, vector<16xi32>
    %swap3A_715 = arith.constant 3 : i32
    %swap3A_716 = arith.index_cast %swap3A_715 : i32 to index
    %swap3A_717 = arith.constant 32 : index
    %swap3A_718 = tpu.vector_load %arg5[%swap3A_716, %swap3A_717] {strides = array<i32>} : memref<5x128xi32, #tpu.memory_space<vmem>>, vector<1x16xi32>,
    %swap3A_719 = vector.shape_cast %swap3A_718 : vector<1x16xi32> to vector<16xi32>
    %swap3A_720 = vector.shape_cast %select_n3A_714 : vector<16xi32> to vector<1x16xi32>
    tpu.vector_store %arg5[%swap3A_716, %swap3A_717], %swap3A_720 {strides = array<i32>} : memref<5x128xi32, #tpu.memory_space<vmem>>, vector<1x16xi32>,
    %swap3A_721 = arith.constant 3 : i32
    %swap3A_722 = arith.index_cast %swap3A_721 : i32 to index
    %swap3A_723 = arith.constant 32 : index
    %swap3A_724 = tpu.vector_load %arg6[%swap3A_722, %swap3A_723] {strides = array<i32>} : memref<5x128xi32, #tpu.memory_space<vmem>>, vector<1x16xi32>,
    %swap3A_725 = vector.shape_cast %swap3A_724 : vector<1x16xi32> to vector<16xi32>
    %swap3A_726 = vector.shape_cast %add3A_707 : vector<16xi32> to vector<1x16xi32>
    tpu.vector_store %arg6[%swap3A_722, %swap3A_723], %swap3A_726 {strides = array<i32>} : memref<5x128xi32, #tpu.memory_space<vmem>>, vector<1x16xi32>,
    %get3A_727 = arith.constant 432 : index
    %get3A_728 = tpu.vector_load %arg4[%get3A_727] {strides = array<i32>} : memref<640xi32, #tpu.memory_space<vmem>>, vector<16xi32>,
    %get3A_729 = vector.shape_cast %get3A_728 : vector<16xi32> to vector<16xi32>
    %add3A_730 = arith.constant 432 : i32
    %add3A_731 = arith.addi %mul3A_2, %add3A_730 : i32
    %iota3A_732 = tpu.iota {dimensions = array<i32: 0>} : vector<16xi32>
    %add3A_733 = vector.broadcast %add3A_731 : i32 to vector<16xi32>
    %add3A_734 = arith.addi %add3A_733, %iota3A_732 : vector<16xi32>
    %lt3A_735 = arith.constant 2048 : i32
    %lt3A_736 = vector.broadcast %lt3A_735 : i32 to vector<16xi32>
    %lt3A_737 = arith.cmpi slt, %get3A_729, %lt3A_736 : vector<16xi32>
    %add3A_738 = arith.constant 2048 : i32
    %add3A_739 = vector.broadcast %add3A_738 : i32 to vector<16xi32>
    %add3A_740 = arith.addi %add3A_739, %add3A_734 : vector<16xi32>
    %select_n3A_741 = arith.select %lt3A_737, %get3A_729, %add3A_740 : vector<16xi1>, vector<16xi32>
    %swap3A_742 = arith.constant 3 : i32
    %swap3A_743 = arith.index_cast %swap3A_742 : i32 to index
    %swap3A_744 = arith.constant 48 : index
    %swap3A_745 = tpu.vector_load %arg5[%swap3A_743, %swap3A_744] {strides = array<i32>} : memref<5x128xi32, #tpu.memory_space<vmem>>, vector<1x16xi32>,
    %swap3A_746 = vector.shape_cast %swap3A_745 : vector<1x16xi32> to vector<16xi32>
    %swap3A_747 = vector.shape_cast %select_n3A_741 : vector<16xi32> to vector<1x16xi32>
    tpu.vector_store %arg5[%swap3A_743, %swap3A_744], %swap3A_747 {strides = array<i32>} : memref<5x128xi32, #tpu.memory_space<vmem>>, vector<1x16xi32>,
    %swap3A_748 = arith.constant 3 : i32
    %swap3A_749 = arith.index_cast %swap3A_748 : i32 to index
    %swap3A_750 = arith.constant 48 : index
    %swap3A_751 = tpu.vector_load %arg6[%swap3A_749, %swap3A_750] {strides = array<i32>} : memref<5x128xi32, #tpu.memory_space<vmem>>, vector<1x16xi32>,
    %swap3A_752 = vector.shape_cast %swap3A_751 : vector<1x16xi32> to vector<16xi32>
    %swap3A_753 = vector.shape_cast %add3A_734 : vector<16xi32> to vector<1x16xi32>
    tpu.vector_store %arg6[%swap3A_749, %swap3A_750], %swap3A_753 {strides = array<i32>} : memref<5x128xi32, #tpu.memory_space<vmem>>, vector<1x16xi32>,
    %get3A_754 = arith.constant 448 : index
    %get3A_755 = tpu.vector_load %arg4[%get3A_754] {strides = array<i32>} : memref<640xi32, #tpu.memory_space<vmem>>, vector<16xi32>,
    %get3A_756 = vector.shape_cast %get3A_755 : vector<16xi32> to vector<16xi32>
    %add3A_757 = arith.constant 448 : i32
    %add3A_758 = arith.addi %mul3A_2, %add3A_757 : i32
    %iota3A_759 = tpu.iota {dimensions = array<i32: 0>} : vector<16xi32>
    %add3A_760 = vector.broadcast %add3A_758 : i32 to vector<16xi32>
    %add3A_761 = arith.addi %add3A_760, %iota3A_759 : vector<16xi32>
    %lt3A_762 = arith.constant 2048 : i32
    %lt3A_763 = vector.broadcast %lt3A_762 : i32 to vector<16xi32>
    %lt3A_764 = arith.cmpi slt, %get3A_756, %lt3A_763 : vector<16xi32>
    %add3A_765 = arith.constant 2048 : i32
    %add3A_766 = vector.broadcast %add3A_765 : i32 to vector<16xi32>
    %add3A_767 = arith.addi %add3A_766, %add3A_761 : vector<16xi32>
    %select_n3A_768 = arith.select %lt3A_764, %get3A_756, %add3A_767 : vector<16xi1>, vector<16xi32>
    %swap3A_769 = arith.constant 3 : i32
    %swap3A_770 = arith.index_cast %swap3A_769 : i32 to index
    %swap3A_771 = arith.constant 64 : index
    %swap3A_772 = tpu.vector_load %arg5[%swap3A_770, %swap3A_771] {strides = array<i32>} : memref<5x128xi32, #tpu.memory_space<vmem>>, vector<1x16xi32>,
    %swap3A_773 = vector.shape_cast %swap3A_772 : vector<1x16xi32> to vector<16xi32>
    %swap3A_774 = vector.shape_cast %select_n3A_768 : vector<16xi32> to vector<1x16xi32>
    tpu.vector_store %arg5[%swap3A_770, %swap3A_771], %swap3A_774 {strides = array<i32>} : memref<5x128xi32, #tpu.memory_space<vmem>>, vector<1x16xi32>,
    %swap3A_775 = arith.constant 3 : i32
    %swap3A_776 = arith.index_cast %swap3A_775 : i32 to index
    %swap3A_777 = arith.constant 64 : index
    %swap3A_778 = tpu.vector_load %arg6[%swap3A_776, %swap3A_777] {strides = array<i32>} : memref<5x128xi32, #tpu.memory_space<vmem>>, vector<1x16xi32>,
    %swap3A_779 = vector.shape_cast %swap3A_778 : vector<1x16xi32> to vector<16xi32>
    %swap3A_780 = vector.shape_cast %add3A_761 : vector<16xi32> to vector<1x16xi32>
    tpu.vector_store %arg6[%swap3A_776, %swap3A_777], %swap3A_780 {strides = array<i32>} : memref<5x128xi32, #tpu.memory_space<vmem>>, vector<1x16xi32>,
    %get3A_781 = arith.constant 464 : index
    %get3A_782 = tpu.vector_load %arg4[%get3A_781] {strides = array<i32>} : memref<640xi32, #tpu.memory_space<vmem>>, vector<16xi32>,
    %get3A_783 = vector.shape_cast %get3A_782 : vector<16xi32> to vector<16xi32>
    %add3A_784 = arith.constant 464 : i32
    %add3A_785 = arith.addi %mul3A_2, %add3A_784 : i32
    %iota3A_786 = tpu.iota {dimensions = array<i32: 0>} : vector<16xi32>
    %add3A_787 = vector.broadcast %add3A_785 : i32 to vector<16xi32>
    %add3A_788 = arith.addi %add3A_787, %iota3A_786 : vector<16xi32>
    %lt3A_789 = arith.constant 2048 : i32
    %lt3A_790 = vector.broadcast %lt3A_789 : i32 to vector<16xi32>
    %lt3A_791 = arith.cmpi slt, %get3A_783, %lt3A_790 : vector<16xi32>
    %add3A_792 = arith.constant 2048 : i32
    %add3A_793 = vector.broadcast %add3A_792 : i32 to vector<16xi32>
    %add3A_794 = arith.addi %add3A_793, %add3A_788 : vector<16xi32>
    %select_n3A_795 = arith.select %lt3A_791, %get3A_783, %add3A_794 : vector<16xi1>, vector<16xi32>
    %swap3A_796 = arith.constant 3 : i32
    %swap3A_797 = arith.index_cast %swap3A_796 : i32 to index
    %swap3A_798 = arith.constant 80 : index
    %swap3A_799 = tpu.vector_load %arg5[%swap3A_797, %swap3A_798] {strides = array<i32>} : memref<5x128xi32, #tpu.memory_space<vmem>>, vector<1x16xi32>,
    %swap3A_800 = vector.shape_cast %swap3A_799 : vector<1x16xi32> to vector<16xi32>
    %swap3A_801 = vector.shape_cast %select_n3A_795 : vector<16xi32> to vector<1x16xi32>
    tpu.vector_store %arg5[%swap3A_797, %swap3A_798], %swap3A_801 {strides = array<i32>} : memref<5x128xi32, #tpu.memory_space<vmem>>, vector<1x16xi32>,
    %swap3A_802 = arith.constant 3 : i32
    %swap3A_803 = arith.index_cast %swap3A_802 : i32 to index
    %swap3A_804 = arith.constant 80 : index
    %swap3A_805 = tpu.vector_load %arg6[%swap3A_803, %swap3A_804] {strides = array<i32>} : memref<5x128xi32, #tpu.memory_space<vmem>>, vector<1x16xi32>,
    %swap3A_806 = vector.shape_cast %swap3A_805 : vector<1x16xi32> to vector<16xi32>
    %swap3A_807 = vector.shape_cast %add3A_788 : vector<16xi32> to vector<1x16xi32>
    tpu.vector_store %arg6[%swap3A_803, %swap3A_804], %swap3A_807 {strides = array<i32>} : memref<5x128xi32, #tpu.memory_space<vmem>>, vector<1x16xi32>,
    %get3A_808 = arith.constant 480 : index
    %get3A_809 = tpu.vector_load %arg4[%get3A_808] {strides = array<i32>} : memref<640xi32, #tpu.memory_space<vmem>>, vector<16xi32>,
    %get3A_810 = vector.shape_cast %get3A_809 : vector<16xi32> to vector<16xi32>
    %add3A_811 = arith.constant 480 : i32
    %add3A_812 = arith.addi %mul3A_2, %add3A_811 : i32
    %iota3A_813 = tpu.iota {dimensions = array<i32: 0>} : vector<16xi32>
    %add3A_814 = vector.broadcast %add3A_812 : i32 to vector<16xi32>
    %add3A_815 = arith.addi %add3A_814, %iota3A_813 : vector<16xi32>
    %lt3A_816 = arith.constant 2048 : i32
    %lt3A_817 = vector.broadcast %lt3A_816 : i32 to vector<16xi32>
    %lt3A_818 = arith.cmpi slt, %get3A_810, %lt3A_817 : vector<16xi32>
    %add3A_819 = arith.constant 2048 : i32
    %add3A_820 = vector.broadcast %add3A_819 : i32 to vector<16xi32>
    %add3A_821 = arith.addi %add3A_820, %add3A_815 : vector<16xi32>
    %select_n3A_822 = arith.select %lt3A_818, %get3A_810, %add3A_821 : vector<16xi1>, vector<16xi32>
    %swap3A_823 = arith.constant 3 : i32
    %swap3A_824 = arith.index_cast %swap3A_823 : i32 to index
    %swap3A_825 = arith.constant 96 : index
    %swap3A_826 = tpu.vector_load %arg5[%swap3A_824, %swap3A_825] {strides = array<i32>} : memref<5x128xi32, #tpu.memory_space<vmem>>, vector<1x16xi32>,
    %swap3A_827 = vector.shape_cast %swap3A_826 : vector<1x16xi32> to vector<16xi32>
    %swap3A_828 = vector.shape_cast %select_n3A_822 : vector<16xi32> to vector<1x16xi32>
    tpu.vector_store %arg5[%swap3A_824, %swap3A_825], %swap3A_828 {strides = array<i32>} : memref<5x128xi32, #tpu.memory_space<vmem>>, vector<1x16xi32>,
    %swap3A_829 = arith.constant 3 : i32
    %swap3A_830 = arith.index_cast %swap3A_829 : i32 to index
    %swap3A_831 = arith.constant 96 : index
    %swap3A_832 = tpu.vector_load %arg6[%swap3A_830, %swap3A_831] {strides = array<i32>} : memref<5x128xi32, #tpu.memory_space<vmem>>, vector<1x16xi32>,
    %swap3A_833 = vector.shape_cast %swap3A_832 : vector<1x16xi32> to vector<16xi32>
    %swap3A_834 = vector.shape_cast %add3A_815 : vector<16xi32> to vector<1x16xi32>
    tpu.vector_store %arg6[%swap3A_830, %swap3A_831], %swap3A_834 {strides = array<i32>} : memref<5x128xi32, #tpu.memory_space<vmem>>, vector<1x16xi32>,
    %get3A_835 = arith.constant 496 : index
    %get3A_836 = tpu.vector_load %arg4[%get3A_835] {strides = array<i32>} : memref<640xi32, #tpu.memory_space<vmem>>, vector<16xi32>,
    %get3A_837 = vector.shape_cast %get3A_836 : vector<16xi32> to vector<16xi32>
    %add3A_838 = arith.constant 496 : i32
    %add3A_839 = arith.addi %mul3A_2, %add3A_838 : i32
    %iota3A_840 = tpu.iota {dimensions = array<i32: 0>} : vector<16xi32>
    %add3A_841 = vector.broadcast %add3A_839 : i32 to vector<16xi32>
    %add3A_842 = arith.addi %add3A_841, %iota3A_840 : vector<16xi32>
    %lt3A_843 = arith.constant 2048 : i32
    %lt3A_844 = vector.broadcast %lt3A_843 : i32 to vector<16xi32>
    %lt3A_845 = arith.cmpi slt, %get3A_837, %lt3A_844 : vector<16xi32>
    %add3A_846 = arith.constant 2048 : i32
    %add3A_847 = vector.broadcast %add3A_846 : i32 to vector<16xi32>
    %add3A_848 = arith.addi %add3A_847, %add3A_842 : vector<16xi32>
    %select_n3A_849 = arith.select %lt3A_845, %get3A_837, %add3A_848 : vector<16xi1>, vector<16xi32>
    %swap3A_850 = arith.constant 3 : i32
    %swap3A_851 = arith.index_cast %swap3A_850 : i32 to index
    %swap3A_852 = arith.constant 112 : index
    %swap3A_853 = tpu.vector_load %arg5[%swap3A_851, %swap3A_852] {strides = array<i32>} : memref<5x128xi32, #tpu.memory_space<vmem>>, vector<1x16xi32>,
    %swap3A_854 = vector.shape_cast %swap3A_853 : vector<1x16xi32> to vector<16xi32>
    %swap3A_855 = vector.shape_cast %select_n3A_849 : vector<16xi32> to vector<1x16xi32>
    tpu.vector_store %arg5[%swap3A_851, %swap3A_852], %swap3A_855 {strides = array<i32>} : memref<5x128xi32, #tpu.memory_space<vmem>>, vector<1x16xi32>,
    %swap3A_856 = arith.constant 3 : i32
    %swap3A_857 = arith.index_cast %swap3A_856 : i32 to index
    %swap3A_858 = arith.constant 112 : index
    %swap3A_859 = tpu.vector_load %arg6[%swap3A_857, %swap3A_858] {strides = array<i32>} : memref<5x128xi32, #tpu.memory_space<vmem>>, vector<1x16xi32>,
    %swap3A_860 = vector.shape_cast %swap3A_859 : vector<1x16xi32> to vector<16xi32>
    %swap3A_861 = vector.shape_cast %add3A_842 : vector<16xi32> to vector<1x16xi32>
    tpu.vector_store %arg6[%swap3A_857, %swap3A_858], %swap3A_861 {strides = array<i32>} : memref<5x128xi32, #tpu.memory_space<vmem>>, vector<1x16xi32>,
    %get3A_862 = arith.constant 512 : index
    %get3A_863 = tpu.vector_load %arg4[%get3A_862] {strides = array<i32>} : memref<640xi32, #tpu.memory_space<vmem>>, vector<16xi32>,
    %get3A_864 = vector.shape_cast %get3A_863 : vector<16xi32> to vector<16xi32>
    %add3A_865 = arith.constant 512 : i32
    %add3A_866 = arith.addi %mul3A_2, %add3A_865 : i32
    %iota3A_867 = tpu.iota {dimensions = array<i32: 0>} : vector<16xi32>
    %add3A_868 = vector.broadcast %add3A_866 : i32 to vector<16xi32>
    %add3A_869 = arith.addi %add3A_868, %iota3A_867 : vector<16xi32>
    %lt3A_870 = arith.constant 2048 : i32
    %lt3A_871 = vector.broadcast %lt3A_870 : i32 to vector<16xi32>
    %lt3A_872 = arith.cmpi slt, %get3A_864, %lt3A_871 : vector<16xi32>
    %add3A_873 = arith.constant 2048 : i32
    %add3A_874 = vector.broadcast %add3A_873 : i32 to vector<16xi32>
    %add3A_875 = arith.addi %add3A_874, %add3A_869 : vector<16xi32>
    %select_n3A_876 = arith.select %lt3A_872, %get3A_864, %add3A_875 : vector<16xi1>, vector<16xi32>
    %swap3A_877 = arith.constant 4 : i32
    %swap3A_878 = arith.index_cast %swap3A_877 : i32 to index
    %swap3A_879 = arith.constant 0 : index
    %swap3A_880 = tpu.vector_load %arg5[%swap3A_878, %swap3A_879] {strides = array<i32>} : memref<5x128xi32, #tpu.memory_space<vmem>>, vector<1x16xi32>,
    %swap3A_881 = vector.shape_cast %swap3A_880 : vector<1x16xi32> to vector<16xi32>
    %swap3A_882 = vector.shape_cast %select_n3A_876 : vector<16xi32> to vector<1x16xi32>
    tpu.vector_store %arg5[%swap3A_878, %swap3A_879], %swap3A_882 {strides = array<i32>} : memref<5x128xi32, #tpu.memory_space<vmem>>, vector<1x16xi32>,
    %swap3A_883 = arith.constant 4 : i32
    %swap3A_884 = arith.index_cast %swap3A_883 : i32 to index
    %swap3A_885 = arith.constant 0 : index
    %swap3A_886 = tpu.vector_load %arg6[%swap3A_884, %swap3A_885] {strides = array<i32>} : memref<5x128xi32, #tpu.memory_space<vmem>>, vector<1x16xi32>,
    %swap3A_887 = vector.shape_cast %swap3A_886 : vector<1x16xi32> to vector<16xi32>
    %swap3A_888 = vector.shape_cast %add3A_869 : vector<16xi32> to vector<1x16xi32>
    tpu.vector_store %arg6[%swap3A_884, %swap3A_885], %swap3A_888 {strides = array<i32>} : memref<5x128xi32, #tpu.memory_space<vmem>>, vector<1x16xi32>,
    %get3A_889 = arith.constant 528 : index
    %get3A_890 = tpu.vector_load %arg4[%get3A_889] {strides = array<i32>} : memref<640xi32, #tpu.memory_space<vmem>>, vector<16xi32>,
    %get3A_891 = vector.shape_cast %get3A_890 : vector<16xi32> to vector<16xi32>
    %add3A_892 = arith.constant 528 : i32
    %add3A_893 = arith.addi %mul3A_2, %add3A_892 : i32
    %iota3A_894 = tpu.iota {dimensions = array<i32: 0>} : vector<16xi32>
    %add3A_895 = vector.broadcast %add3A_893 : i32 to vector<16xi32>
    %add3A_896 = arith.addi %add3A_895, %iota3A_894 : vector<16xi32>
    %lt3A_897 = arith.constant 2048 : i32
    %lt3A_898 = vector.broadcast %lt3A_897 : i32 to vector<16xi32>
    %lt3A_899 = arith.cmpi slt, %get3A_891, %lt3A_898 : vector<16xi32>
    %add3A_900 = arith.constant 2048 : i32
    %add3A_901 = vector.broadcast %add3A_900 : i32 to vector<16xi32>
    %add3A_902 = arith.addi %add3A_901, %add3A_896 : vector<16xi32>
    %select_n3A_903 = arith.select %lt3A_899, %get3A_891, %add3A_902 : vector<16xi1>, vector<16xi32>
    %swap3A_904 = arith.constant 4 : i32
    %swap3A_905 = arith.index_cast %swap3A_904 : i32 to index
    %swap3A_906 = arith.constant 16 : index
    %swap3A_907 = tpu.vector_load %arg5[%swap3A_905, %swap3A_906] {strides = array<i32>} : memref<5x128xi32, #tpu.memory_space<vmem>>, vector<1x16xi32>,
    %swap3A_908 = vector.shape_cast %swap3A_907 : vector<1x16xi32> to vector<16xi32>
    %swap3A_909 = vector.shape_cast %select_n3A_903 : vector<16xi32> to vector<1x16xi32>
    tpu.vector_store %arg5[%swap3A_905, %swap3A_906], %swap3A_909 {strides = array<i32>} : memref<5x128xi32, #tpu.memory_space<vmem>>, vector<1x16xi32>,
    %swap3A_910 = arith.constant 4 : i32
    %swap3A_911 = arith.index_cast %swap3A_910 : i32 to index
    %swap3A_912 = arith.constant 16 : index
    %swap3A_913 = tpu.vector_load %arg6[%swap3A_911, %swap3A_912] {strides = array<i32>} : memref<5x128xi32, #tpu.memory_space<vmem>>, vector<1x16xi32>,
    %swap3A_914 = vector.shape_cast %swap3A_913 : vector<1x16xi32> to vector<16xi32>
    %swap3A_915 = vector.shape_cast %add3A_896 : vector<16xi32> to vector<1x16xi32>
    tpu.vector_store %arg6[%swap3A_911, %swap3A_912], %swap3A_915 {strides = array<i32>} : memref<5x128xi32, #tpu.memory_space<vmem>>, vector<1x16xi32>,
    %get3A_916 = arith.constant 544 : index
    %get3A_917 = tpu.vector_load %arg4[%get3A_916] {strides = array<i32>} : memref<640xi32, #tpu.memory_space<vmem>>, vector<16xi32>,
    %get3A_918 = vector.shape_cast %get3A_917 : vector<16xi32> to vector<16xi32>
    %add3A_919 = arith.constant 544 : i32
    %add3A_920 = arith.addi %mul3A_2, %add3A_919 : i32
    %iota3A_921 = tpu.iota {dimensions = array<i32: 0>} : vector<16xi32>
    %add3A_922 = vector.broadcast %add3A_920 : i32 to vector<16xi32>
    %add3A_923 = arith.addi %add3A_922, %iota3A_921 : vector<16xi32>
    %lt3A_924 = arith.constant 2048 : i32
    %lt3A_925 = vector.broadcast %lt3A_924 : i32 to vector<16xi32>
    %lt3A_926 = arith.cmpi slt, %get3A_918, %lt3A_925 : vector<16xi32>
    %add3A_927 = arith.constant 2048 : i32
    %add3A_928 = vector.broadcast %add3A_927 : i32 to vector<16xi32>
    %add3A_929 = arith.addi %add3A_928, %add3A_923 : vector<16xi32>
    %select_n3A_930 = arith.select %lt3A_926, %get3A_918, %add3A_929 : vector<16xi1>, vector<16xi32>
    %swap3A_931 = arith.constant 4 : i32
    %swap3A_932 = arith.index_cast %swap3A_931 : i32 to index
    %swap3A_933 = arith.constant 32 : index
    %swap3A_934 = tpu.vector_load %arg5[%swap3A_932, %swap3A_933] {strides = array<i32>} : memref<5x128xi32, #tpu.memory_space<vmem>>, vector<1x16xi32>,
    %swap3A_935 = vector.shape_cast %swap3A_934 : vector<1x16xi32> to vector<16xi32>
    %swap3A_936 = vector.shape_cast %select_n3A_930 : vector<16xi32> to vector<1x16xi32>
    tpu.vector_store %arg5[%swap3A_932, %swap3A_933], %swap3A_936 {strides = array<i32>} : memref<5x128xi32, #tpu.memory_space<vmem>>, vector<1x16xi32>,
    %swap3A_937 = arith.constant 4 : i32
    %swap3A_938 = arith.index_cast %swap3A_937 : i32 to index
    %swap3A_939 = arith.constant 32 : index
    %swap3A_940 = tpu.vector_load %arg6[%swap3A_938, %swap3A_939] {strides = array<i32>} : memref<5x128xi32, #tpu.memory_space<vmem>>, vector<1x16xi32>,
    %swap3A_941 = vector.shape_cast %swap3A_940 : vector<1x16xi32> to vector<16xi32>
    %swap3A_942 = vector.shape_cast %add3A_923 : vector<16xi32> to vector<1x16xi32>
    tpu.vector_store %arg6[%swap3A_938, %swap3A_939], %swap3A_942 {strides = array<i32>} : memref<5x128xi32, #tpu.memory_space<vmem>>, vector<1x16xi32>,
    %get3A_943 = arith.constant 560 : index
    %get3A_944 = tpu.vector_load %arg4[%get3A_943] {strides = array<i32>} : memref<640xi32, #tpu.memory_space<vmem>>, vector<16xi32>,
    %get3A_945 = vector.shape_cast %get3A_944 : vector<16xi32> to vector<16xi32>
    %add3A_946 = arith.constant 560 : i32
    %add3A_947 = arith.addi %mul3A_2, %add3A_946 : i32
    %iota3A_948 = tpu.iota {dimensions = array<i32: 0>} : vector<16xi32>
    %add3A_949 = vector.broadcast %add3A_947 : i32 to vector<16xi32>
    %add3A_950 = arith.addi %add3A_949, %iota3A_948 : vector<16xi32>
    %lt3A_951 = arith.constant 2048 : i32
    %lt3A_952 = vector.broadcast %lt3A_951 : i32 to vector<16xi32>
    %lt3A_953 = arith.cmpi slt, %get3A_945, %lt3A_952 : vector<16xi32>
    %add3A_954 = arith.constant 2048 : i32
    %add3A_955 = vector.broadcast %add3A_954 : i32 to vector<16xi32>
    %add3A_956 = arith.addi %add3A_955, %add3A_950 : vector<16xi32>
    %select_n3A_957 = arith.select %lt3A_953, %get3A_945, %add3A_956 : vector<16xi1>, vector<16xi32>
    %swap3A_958 = arith.constant 4 : i32
    %swap3A_959 = arith.index_cast %swap3A_958 : i32 to index
    %swap3A_960 = arith.constant 48 : index
    %swap3A_961 = tpu.vector_load %arg5[%swap3A_959, %swap3A_960] {strides = array<i32>} : memref<5x128xi32, #tpu.memory_space<vmem>>, vector<1x16xi32>,
    %swap3A_962 = vector.shape_cast %swap3A_961 : vector<1x16xi32> to vector<16xi32>
    %swap3A_963 = vector.shape_cast %select_n3A_957 : vector<16xi32> to vector<1x16xi32>
    tpu.vector_store %arg5[%swap3A_959, %swap3A_960], %swap3A_963 {strides = array<i32>} : memref<5x128xi32, #tpu.memory_space<vmem>>, vector<1x16xi32>,
    %swap3A_964 = arith.constant 4 : i32
    %swap3A_965 = arith.index_cast %swap3A_964 : i32 to index
    %swap3A_966 = arith.constant 48 : index
    %swap3A_967 = tpu.vector_load %arg6[%swap3A_965, %swap3A_966] {strides = array<i32>} : memref<5x128xi32, #tpu.memory_space<vmem>>, vector<1x16xi32>,
    %swap3A_968 = vector.shape_cast %swap3A_967 : vector<1x16xi32> to vector<16xi32>
    %swap3A_969 = vector.shape_cast %add3A_950 : vector<16xi32> to vector<1x16xi32>
    tpu.vector_store %arg6[%swap3A_965, %swap3A_966], %swap3A_969 {strides = array<i32>} : memref<5x128xi32, #tpu.memory_space<vmem>>, vector<1x16xi32>,
    %get3A_970 = arith.constant 576 : index
    %get3A_971 = tpu.vector_load %arg4[%get3A_970] {strides = array<i32>} : memref<640xi32, #tpu.memory_space<vmem>>, vector<16xi32>,
    %get3A_972 = vector.shape_cast %get3A_971 : vector<16xi32> to vector<16xi32>
    %add3A_973 = arith.constant 576 : i32
    %add3A_974 = arith.addi %mul3A_2, %add3A_973 : i32
    %iota3A_975 = tpu.iota {dimensions = array<i32: 0>} : vector<16xi32>
    %add3A_976 = vector.broadcast %add3A_974 : i32 to vector<16xi32>
    %add3A_977 = arith.addi %add3A_976, %iota3A_975 : vector<16xi32>
    %lt3A_978 = arith.constant 2048 : i32
    %lt3A_979 = vector.broadcast %lt3A_978 : i32 to vector<16xi32>
    %lt3A_980 = arith.cmpi slt, %get3A_972, %lt3A_979 : vector<16xi32>
    %add3A_981 = arith.constant 2048 : i32
    %add3A_982 = vector.broadcast %add3A_981 : i32 to vector<16xi32>
    %add3A_983 = arith.addi %add3A_982, %add3A_977 : vector<16xi32>
    %select_n3A_984 = arith.select %lt3A_980, %get3A_972, %add3A_983 : vector<16xi1>, vector<16xi32>
    %swap3A_985 = arith.constant 4 : i32
    %swap3A_986 = arith.index_cast %swap3A_985 : i32 to index
    %swap3A_987 = arith.constant 64 : index
    %swap3A_988 = tpu.vector_load %arg5[%swap3A_986, %swap3A_987] {strides = array<i32>} : memref<5x128xi32, #tpu.memory_space<vmem>>, vector<1x16xi32>,
    %swap3A_989 = vector.shape_cast %swap3A_988 : vector<1x16xi32> to vector<16xi32>
    %swap3A_990 = vector.shape_cast %select_n3A_984 : vector<16xi32> to vector<1x16xi32>
    tpu.vector_store %arg5[%swap3A_986, %swap3A_987], %swap3A_990 {strides = array<i32>} : memref<5x128xi32, #tpu.memory_space<vmem>>, vector<1x16xi32>,
    %swap3A_991 = arith.constant 4 : i32
    %swap3A_992 = arith.index_cast %swap3A_991 : i32 to index
    %swap3A_993 = arith.constant 64 : index
    %swap3A_994 = tpu.vector_load %arg6[%swap3A_992, %swap3A_993] {strides = array<i32>} : memref<5x128xi32, #tpu.memory_space<vmem>>, vector<1x16xi32>,
    %swap3A_995 = vector.shape_cast %swap3A_994 : vector<1x16xi32> to vector<16xi32>
    %swap3A_996 = vector.shape_cast %add3A_977 : vector<16xi32> to vector<1x16xi32>
    tpu.vector_store %arg6[%swap3A_992, %swap3A_993], %swap3A_996 {strides = array<i32>} : memref<5x128xi32, #tpu.memory_space<vmem>>, vector<1x16xi32>,
    %get3A_997 = arith.constant 592 : index
    %get3A_998 = tpu.vector_load %arg4[%get3A_997] {strides = array<i32>} : memref<640xi32, #tpu.memory_space<vmem>>, vector<16xi32>,
    %get3A_999 = vector.shape_cast %get3A_998 : vector<16xi32> to vector<16xi32>
    %add3A_1000 = arith.constant 592 : i32
    %add3A_1001 = arith.addi %mul3A_2, %add3A_1000 : i32
    %iota3A_1002 = tpu.iota {dimensions = array<i32: 0>} : vector<16xi32>
    %add3A_1003 = vector.broadcast %add3A_1001 : i32 to vector<16xi32>
    %add3A_1004 = arith.addi %add3A_1003, %iota3A_1002 : vector<16xi32>
    %lt3A_1005 = arith.constant 2048 : i32
    %lt3A_1006 = vector.broadcast %lt3A_1005 : i32 to vector<16xi32>
    %lt3A_1007 = arith.cmpi slt, %get3A_999, %lt3A_1006 : vector<16xi32>
    %add3A_1008 = arith.constant 2048 : i32
    %add3A_1009 = vector.broadcast %add3A_1008 : i32 to vector<16xi32>
    %add3A_1010 = arith.addi %add3A_1009, %add3A_1004 : vector<16xi32>
    %select_n3A_1011 = arith.select %lt3A_1007, %get3A_999, %add3A_1010 : vector<16xi1>, vector<16xi32>
    %swap3A_1012 = arith.constant 4 : i32
    %swap3A_1013 = arith.index_cast %swap3A_1012 : i32 to index
    %swap3A_1014 = arith.constant 80 : index
    %swap3A_1015 = tpu.vector_load %arg5[%swap3A_1013, %swap3A_1014] {strides = array<i32>} : memref<5x128xi32, #tpu.memory_space<vmem>>, vector<1x16xi32>,
    %swap3A_1016 = vector.shape_cast %swap3A_1015 : vector<1x16xi32> to vector<16xi32>
    %swap3A_1017 = vector.shape_cast %select_n3A_1011 : vector<16xi32> to vector<1x16xi32>
    tpu.vector_store %arg5[%swap3A_1013, %swap3A_1014], %swap3A_1017 {strides = array<i32>} : memref<5x128xi32, #tpu.memory_space<vmem>>, vector<1x16xi32>,
    %swap3A_1018 = arith.constant 4 : i32
    %swap3A_1019 = arith.index_cast %swap3A_1018 : i32 to index
    %swap3A_1020 = arith.constant 80 : index
    %swap3A_1021 = tpu.vector_load %arg6[%swap3A_1019, %swap3A_1020] {strides = array<i32>} : memref<5x128xi32, #tpu.memory_space<vmem>>, vector<1x16xi32>,
    %swap3A_1022 = vector.shape_cast %swap3A_1021 : vector<1x16xi32> to vector<16xi32>
    %swap3A_1023 = vector.shape_cast %add3A_1004 : vector<16xi32> to vector<1x16xi32>
    tpu.vector_store %arg6[%swap3A_1019, %swap3A_1020], %swap3A_1023 {strides = array<i32>} : memref<5x128xi32, #tpu.memory_space<vmem>>, vector<1x16xi32>,
    %get3A_1024 = arith.constant 608 : index
    %get3A_1025 = tpu.vector_load %arg4[%get3A_1024] {strides = array<i32>} : memref<640xi32, #tpu.memory_space<vmem>>, vector<16xi32>,
    %get3A_1026 = vector.shape_cast %get3A_1025 : vector<16xi32> to vector<16xi32>
    %add3A_1027 = arith.constant 608 : i32
    %add3A_1028 = arith.addi %mul3A_2, %add3A_1027 : i32
    %iota3A_1029 = tpu.iota {dimensions = array<i32: 0>} : vector<16xi32>
    %add3A_1030 = vector.broadcast %add3A_1028 : i32 to vector<16xi32>
    %add3A_1031 = arith.addi %add3A_1030, %iota3A_1029 : vector<16xi32>
    %lt3A_1032 = arith.constant 2048 : i32
    %lt3A_1033 = vector.broadcast %lt3A_1032 : i32 to vector<16xi32>
    %lt3A_1034 = arith.cmpi slt, %get3A_1026, %lt3A_1033 : vector<16xi32>
    %add3A_1035 = arith.constant 2048 : i32
    %add3A_1036 = vector.broadcast %add3A_1035 : i32 to vector<16xi32>
    %add3A_1037 = arith.addi %add3A_1036, %add3A_1031 : vector<16xi32>
    %select_n3A_1038 = arith.select %lt3A_1034, %get3A_1026, %add3A_1037 : vector<16xi1>, vector<16xi32>
    %swap3A_1039 = arith.constant 4 : i32
    %swap3A_1040 = arith.index_cast %swap3A_1039 : i32 to index
    %swap3A_1041 = arith.constant 96 : index
    %swap3A_1042 = tpu.vector_load %arg5[%swap3A_1040, %swap3A_1041] {strides = array<i32>} : memref<5x128xi32, #tpu.memory_space<vmem>>, vector<1x16xi32>,
    %swap3A_1043 = vector.shape_cast %swap3A_1042 : vector<1x16xi32> to vector<16xi32>
    %swap3A_1044 = vector.shape_cast %select_n3A_1038 : vector<16xi32> to vector<1x16xi32>
    tpu.vector_store %arg5[%swap3A_1040, %swap3A_1041], %swap3A_1044 {strides = array<i32>} : memref<5x128xi32, #tpu.memory_space<vmem>>, vector<1x16xi32>,
    %swap3A_1045 = arith.constant 4 : i32
    %swap3A_1046 = arith.index_cast %swap3A_1045 : i32 to index
    %swap3A_1047 = arith.constant 96 : index
    %swap3A_1048 = tpu.vector_load %arg6[%swap3A_1046, %swap3A_1047] {strides = array<i32>} : memref<5x128xi32, #tpu.memory_space<vmem>>, vector<1x16xi32>,
    %swap3A_1049 = vector.shape_cast %swap3A_1048 : vector<1x16xi32> to vector<16xi32>
    %swap3A_1050 = vector.shape_cast %add3A_1031 : vector<16xi32> to vector<1x16xi32>
    tpu.vector_store %arg6[%swap3A_1046, %swap3A_1047], %swap3A_1050 {strides = array<i32>} : memref<5x128xi32, #tpu.memory_space<vmem>>, vector<1x16xi32>,
    %get3A_1051 = arith.constant 624 : index
    %get3A_1052 = tpu.vector_load %arg4[%get3A_1051] {strides = array<i32>} : memref<640xi32, #tpu.memory_space<vmem>>, vector<16xi32>,
    %get3A_1053 = vector.shape_cast %get3A_1052 : vector<16xi32> to vector<16xi32>
    %add3A_1054 = arith.constant 624 : i32
    %add3A_1055 = arith.addi %mul3A_2, %add3A_1054 : i32
    %iota3A_1056 = tpu.iota {dimensions = array<i32: 0>} : vector<16xi32>
    %add3A_1057 = vector.broadcast %add3A_1055 : i32 to vector<16xi32>
    %add3A_1058 = arith.addi %add3A_1057, %iota3A_1056 : vector<16xi32>
    %lt3A_1059 = arith.constant 2048 : i32
    %lt3A_1060 = vector.broadcast %lt3A_1059 : i32 to vector<16xi32>
    %lt3A_1061 = arith.cmpi slt, %get3A_1053, %lt3A_1060 : vector<16xi32>
    %add3A_1062 = arith.constant 2048 : i32
    %add3A_1063 = vector.broadcast %add3A_1062 : i32 to vector<16xi32>
    %add3A_1064 = arith.addi %add3A_1063, %add3A_1058 : vector<16xi32>
    %select_n3A_1065 = arith.select %lt3A_1061, %get3A_1053, %add3A_1064 : vector<16xi1>, vector<16xi32>
    %swap3A_1066 = arith.constant 4 : i32
    %swap3A_1067 = arith.index_cast %swap3A_1066 : i32 to index
    %swap3A_1068 = arith.constant 112 : index
    %swap3A_1069 = tpu.vector_load %arg5[%swap3A_1067, %swap3A_1068] {strides = array<i32>} : memref<5x128xi32, #tpu.memory_space<vmem>>, vector<1x16xi32>,
    %swap3A_1070 = vector.shape_cast %swap3A_1069 : vector<1x16xi32> to vector<16xi32>
    %swap3A_1071 = vector.shape_cast %select_n3A_1065 : vector<16xi32> to vector<1x16xi32>
    tpu.vector_store %arg5[%swap3A_1067, %swap3A_1068], %swap3A_1071 {strides = array<i32>} : memref<5x128xi32, #tpu.memory_space<vmem>>, vector<1x16xi32>,
    %swap3A_1072 = arith.constant 4 : i32
    %swap3A_1073 = arith.index_cast %swap3A_1072 : i32 to index
    %swap3A_1074 = arith.constant 112 : index
    %swap3A_1075 = tpu.vector_load %arg6[%swap3A_1073, %swap3A_1074] {strides = array<i32>} : memref<5x128xi32, #tpu.memory_space<vmem>>, vector<1x16xi32>,
    %swap3A_1076 = vector.shape_cast %swap3A_1075 : vector<1x16xi32> to vector<16xi32>
    %swap3A_1077 = vector.shape_cast %add3A_1058 : vector<16xi32> to vector<1x16xi32>
    tpu.vector_store %arg6[%swap3A_1073, %swap3A_1074], %swap3A_1077 {strides = array<i32>} : memref<5x128xi32, #tpu.memory_space<vmem>>, vector<1x16xi32>,
    %dma_start3A = arith.constant 0 : i32
    %dma_start3A_1078 = arith.constant 0 : i32
    %dma_start3A_1079 = arith.constant 0 : i32
    %dma_start3A_1080 = tpu.memref_slice %arg6[%dma_start3A, %dma_start3A_1079] : memref<5x128xi32, #tpu.memory_space<vmem>> -> memref<1x128xi32, #tpu.memory_space<vmem>>
    %dma_start3A_1081 = tpu.memref_squeeze %dma_start3A_1080 : memref<1x128xi32, #tpu.memory_space<vmem>> -> memref<128xi32, #tpu.memory_space<vmem>>
    %dma_start3A_1082 = arith.constant 0 : i32
    %dma_start3A_1083 = tpu.memref_slice %arg5[%dma_start3A_1078, %dma_start3A_1082] : memref<5x128xi32, #tpu.memory_space<vmem>> -> memref<1x128xi32, #tpu.memory_space<vmem>>
    %dma_start3A_1084 = tpu.memref_squeeze %dma_start3A_1083 : memref<1x128xi32, #tpu.memory_space<vmem>> -> memref<128xi32, #tpu.memory_space<vmem>>
    %dma_start3A_1085 = arith.constant 0 : i32
    %dma_start3A_1086 = tpu.memref_slice %arg3[%dma_start3A_1085] : memref<22528xi32, #tpu.memory_space<hbm>> -> memref<22528xi32, #tpu.memory_space<hbm>>
    tpu.enqueue_indirect_dma source(%dma_start3A_1081 : memref<128xi32, #tpu.memory_space<vmem>>) target(%dma_start3A_1086 : memref<22528xi32, #tpu.memory_space<hbm>>) offsets(%dma_start3A_1084 : memref<128xi32, #tpu.memory_space<vmem>>) semaphore(%arg7 : memref<!tpu.dma_semaphore, #tpu.memory_space<semaphore_mem>>)
    %dma_wait3A = arith.constant 0 : i32
    %dma_wait3A_1087 = arith.constant 0 : i32
    %dma_wait3A_1088 = arith.constant 0 : i32
    %dma_wait3A_1089 = tpu.memref_slice %arg6[%dma_wait3A, %dma_wait3A_1088] : memref<5x128xi32, #tpu.memory_space<vmem>> -> memref<1x128xi32, #tpu.memory_space<vmem>>
    %dma_wait3A_1090 = tpu.memref_squeeze %dma_wait3A_1089 : memref<1x128xi32, #tpu.memory_space<vmem>> -> memref<128xi32, #tpu.memory_space<vmem>>
    %dma_wait3A_1091 = arith.constant 0 : i32
    %dma_wait3A_1092 = tpu.memref_slice %arg5[%dma_wait3A_1087, %dma_wait3A_1091] : memref<5x128xi32, #tpu.memory_space<vmem>> -> memref<1x128xi32, #tpu.memory_space<vmem>>
    %dma_wait3A_1093 = tpu.memref_squeeze %dma_wait3A_1092 : memref<1x128xi32, #tpu.memory_space<vmem>> -> memref<128xi32, #tpu.memory_space<vmem>>
    %dma_wait3A_1094 = arith.constant 0 : i32
    %dma_wait3A_1095 = tpu.memref_slice %arg3[%dma_wait3A_1094] : memref<22528xi32, #tpu.memory_space<hbm>> -> memref<22528xi32, #tpu.memory_space<hbm>>
    tpu.wait_indirect_dma semaphore(%arg7 : memref<!tpu.dma_semaphore, #tpu.memory_space<semaphore_mem>>) src(%dma_wait3A_1090 : memref<128xi32, #tpu.memory_space<vmem>>) dst(%dma_wait3A_1095 : memref<22528xi32, #tpu.memory_space<hbm>>)
    %dma_start3A_1096 = arith.constant 1 : i32
    %dma_start3A_1097 = arith.constant 1 : i32
    %dma_start3A_1098 = arith.constant 0 : i32
    %dma_start3A_1099 = tpu.memref_slice %arg6[%dma_start3A_1096, %dma_start3A_1098] : memref<5x128xi32, #tpu.memory_space<vmem>> -> memref<1x128xi32, #tpu.memory_space<vmem>>
    %dma_start3A_1100 = tpu.memref_squeeze %dma_start3A_1099 : memref<1x128xi32, #tpu.memory_space<vmem>> -> memref<128xi32, #tpu.memory_space<vmem>>
    %dma_start3A_1101 = arith.constant 0 : i32
    %dma_start3A_1102 = tpu.memref_slice %arg5[%dma_start3A_1097, %dma_start3A_1101] : memref<5x128xi32, #tpu.memory_space<vmem>> -> memref<1x128xi32, #tpu.memory_space<vmem>>
    %dma_start3A_1103 = tpu.memref_squeeze %dma_start3A_1102 : memref<1x128xi32, #tpu.memory_space<vmem>> -> memref<128xi32, #tpu.memory_space<vmem>>
    %dma_start3A_1104 = arith.constant 0 : i32
    %dma_start3A_1105 = tpu.memref_slice %arg3[%dma_start3A_1104] : memref<22528xi32, #tpu.memory_space<hbm>> -> memref<22528xi32, #tpu.memory_space<hbm>>
    tpu.enqueue_indirect_dma source(%dma_start3A_1100 : memref<128xi32, #tpu.memory_space<vmem>>) target(%dma_start3A_1105 : memref<22528xi32, #tpu.memory_space<hbm>>) offsets(%dma_start3A_1103 : memref<128xi32, #tpu.memory_space<vmem>>) semaphore(%arg7 : memref<!tpu.dma_semaphore, #tpu.memory_space<semaphore_mem>>)
    %dma_wait3A_1106 = arith.constant 1 : i32
    %dma_wait3A_1107 = arith.constant 1 : i32
    %dma_wait3A_1108 = arith.constant 0 : i32
    %dma_wait3A_1109 = tpu.memref_slice %arg6[%dma_wait3A_1106, %dma_wait3A_1108] : memref<5x128xi32, #tpu.memory_space<vmem>> -> memref<1x128xi32, #tpu.memory_space<vmem>>
    %dma_wait3A_1110 = tpu.memref_squeeze %dma_wait3A_1109 : memref<1x128xi32, #tpu.memory_space<vmem>> -> memref<128xi32, #tpu.memory_space<vmem>>
    %dma_wait3A_1111 = arith.constant 0 : i32
    %dma_wait3A_1112 = tpu.memref_slice %arg5[%dma_wait3A_1107, %dma_wait3A_1111] : memref<5x128xi32, #tpu.memory_space<vmem>> -> memref<1x128xi32, #tpu.memory_space<vmem>>
    %dma_wait3A_1113 = tpu.memref_squeeze %dma_wait3A_1112 : memref<1x128xi32, #tpu.memory_space<vmem>> -> memref<128xi32, #tpu.memory_space<vmem>>
    %dma_wait3A_1114 = arith.constant 0 : i32
    %dma_wait3A_1115 = tpu.memref_slice %arg3[%dma_wait3A_1114] : memref<22528xi32, #tpu.memory_space<hbm>> -> memref<22528xi32, #tpu.memory_space<hbm>>
    tpu.wait_indirect_dma semaphore(%arg7 : memref<!tpu.dma_semaphore, #tpu.memory_space<semaphore_mem>>) src(%dma_wait3A_1110 : memref<128xi32, #tpu.memory_space<vmem>>) dst(%dma_wait3A_1115 : memref<22528xi32, #tpu.memory_space<hbm>>)
    %dma_start3A_1116 = arith.constant 2 : i32
    %dma_start3A_1117 = arith.constant 2 : i32
    %dma_start3A_1118 = arith.constant 0 : i32
    %dma_start3A_1119 = tpu.memref_slice %arg6[%dma_start3A_1116, %dma_start3A_1118] : memref<5x128xi32, #tpu.memory_space<vmem>> -> memref<1x128xi32, #tpu.memory_space<vmem>>
    %dma_start3A_1120 = tpu.memref_squeeze %dma_start3A_1119 : memref<1x128xi32, #tpu.memory_space<vmem>> -> memref<128xi32, #tpu.memory_space<vmem>>
    %dma_start3A_1121 = arith.constant 0 : i32
    %dma_start3A_1122 = tpu.memref_slice %arg5[%dma_start3A_1117, %dma_start3A_1121] : memref<5x128xi32, #tpu.memory_space<vmem>> -> memref<1x128xi32, #tpu.memory_space<vmem>>
    %dma_start3A_1123 = tpu.memref_squeeze %dma_start3A_1122 : memref<1x128xi32, #tpu.memory_space<vmem>> -> memref<128xi32, #tpu.memory_space<vmem>>
    %dma_start3A_1124 = arith.constant 0 : i32
    %dma_start3A_1125 = tpu.memref_slice %arg3[%dma_start3A_1124] : memref<22528xi32, #tpu.memory_space<hbm>> -> memref<22528xi32, #tpu.memory_space<hbm>>
    tpu.enqueue_indirect_dma source(%dma_start3A_1120 : memref<128xi32, #tpu.memory_space<vmem>>) target(%dma_start3A_1125 : memref<22528xi32, #tpu.memory_space<hbm>>) offsets(%dma_start3A_1123 : memref<128xi32, #tpu.memory_space<vmem>>) semaphore(%arg7 : memref<!tpu.dma_semaphore, #tpu.memory_space<semaphore_mem>>)
    %dma_wait3A_1126 = arith.constant 2 : i32
    %dma_wait3A_1127 = arith.constant 2 : i32
    %dma_wait3A_1128 = arith.constant 0 : i32
    %dma_wait3A_1129 = tpu.memref_slice %arg6[%dma_wait3A_1126, %dma_wait3A_1128] : memref<5x128xi32, #tpu.memory_space<vmem>> -> memref<1x128xi32, #tpu.memory_space<vmem>>
    %dma_wait3A_1130 = tpu.memref_squeeze %dma_wait3A_1129 : memref<1x128xi32, #tpu.memory_space<vmem>> -> memref<128xi32, #tpu.memory_space<vmem>>
    %dma_wait3A_1131 = arith.constant 0 : i32
    %dma_wait3A_1132 = tpu.memref_slice %arg5[%dma_wait3A_1127, %dma_wait3A_1131] : memref<5x128xi32, #tpu.memory_space<vmem>> -> memref<1x128xi32, #tpu.memory_space<vmem>>
    %dma_wait3A_1133 = tpu.memref_squeeze %dma_wait3A_1132 : memref<1x128xi32, #tpu.memory_space<vmem>> -> memref<128xi32, #tpu.memory_space<vmem>>
    %dma_wait3A_1134 = arith.constant 0 : i32
    %dma_wait3A_1135 = tpu.memref_slice %arg3[%dma_wait3A_1134] : memref<22528xi32, #tpu.memory_space<hbm>> -> memref<22528xi32, #tpu.memory_space<hbm>>
    tpu.wait_indirect_dma semaphore(%arg7 : memref<!tpu.dma_semaphore, #tpu.memory_space<semaphore_mem>>) src(%dma_wait3A_1130 : memref<128xi32, #tpu.memory_space<vmem>>) dst(%dma_wait3A_1135 : memref<22528xi32, #tpu.memory_space<hbm>>)
    %dma_start3A_1136 = arith.constant 3 : i32
    %dma_start3A_1137 = arith.constant 3 : i32
    %dma_start3A_1138 = arith.constant 0 : i32
    %dma_start3A_1139 = tpu.memref_slice %arg6[%dma_start3A_1136, %dma_start3A_1138] : memref<5x128xi32, #tpu.memory_space<vmem>> -> memref<1x128xi32, #tpu.memory_space<vmem>>
    %dma_start3A_1140 = tpu.memref_squeeze %dma_start3A_1139 : memref<1x128xi32, #tpu.memory_space<vmem>> -> memref<128xi32, #tpu.memory_space<vmem>>
    %dma_start3A_1141 = arith.constant 0 : i32
    %dma_start3A_1142 = tpu.memref_slice %arg5[%dma_start3A_1137, %dma_start3A_1141] : memref<5x128xi32, #tpu.memory_space<vmem>> -> memref<1x128xi32, #tpu.memory_space<vmem>>
    %dma_start3A_1143 = tpu.memref_squeeze %dma_start3A_1142 : memref<1x128xi32, #tpu.memory_space<vmem>> -> memref<128xi32, #tpu.memory_space<vmem>>
    %dma_start3A_1144 = arith.constant 0 : i32
    %dma_start3A_1145 = tpu.memref_slice %arg3[%dma_start3A_1144] : memref<22528xi32, #tpu.memory_space<hbm>> -> memref<22528xi32, #tpu.memory_space<hbm>>
    tpu.enqueue_indirect_dma source(%dma_start3A_1140 : memref<128xi32, #tpu.memory_space<vmem>>) target(%dma_start3A_1145 : memref<22528xi32, #tpu.memory_space<hbm>>) offsets(%dma_start3A_1143 : memref<128xi32, #tpu.memory_space<vmem>>) semaphore(%arg7 : memref<!tpu.dma_semaphore, #tpu.memory_space<semaphore_mem>>)
    %dma_wait3A_1146 = arith.constant 3 : i32
    %dma_wait3A_1147 = arith.constant 3 : i32
    %dma_wait3A_1148 = arith.constant 0 : i32
    %dma_wait3A_1149 = tpu.memref_slice %arg6[%dma_wait3A_1146, %dma_wait3A_1148] : memref<5x128xi32, #tpu.memory_space<vmem>> -> memref<1x128xi32, #tpu.memory_space<vmem>>
    %dma_wait3A_1150 = tpu.memref_squeeze %dma_wait3A_1149 : memref<1x128xi32, #tpu.memory_space<vmem>> -> memref<128xi32, #tpu.memory_space<vmem>>
    %dma_wait3A_1151 = arith.constant 0 : i32
    %dma_wait3A_1152 = tpu.memref_slice %arg5[%dma_wait3A_1147, %dma_wait3A_1151] : memref<5x128xi32, #tpu.memory_space<vmem>> -> memref<1x128xi32, #tpu.memory_space<vmem>>
    %dma_wait3A_1153 = tpu.memref_squeeze %dma_wait3A_1152 : memref<1x128xi32, #tpu.memory_space<vmem>> -> memref<128xi32, #tpu.memory_space<vmem>>
    %dma_wait3A_1154 = arith.constant 0 : i32
    %dma_wait3A_1155 = tpu.memref_slice %arg3[%dma_wait3A_1154] : memref<22528xi32, #tpu.memory_space<hbm>> -> memref<22528xi32, #tpu.memory_space<hbm>>
    tpu.wait_indirect_dma semaphore(%arg7 : memref<!tpu.dma_semaphore, #tpu.memory_space<semaphore_mem>>) src(%dma_wait3A_1150 : memref<128xi32, #tpu.memory_space<vmem>>) dst(%dma_wait3A_1155 : memref<22528xi32, #tpu.memory_space<hbm>>)
    %dma_start3A_1156 = arith.constant 4 : i32
    %dma_start3A_1157 = arith.constant 4 : i32
    %dma_start3A_1158 = arith.constant 0 : i32
    %dma_start3A_1159 = tpu.memref_slice %arg6[%dma_start3A_1156, %dma_start3A_1158] : memref<5x128xi32, #tpu.memory_space<vmem>> -> memref<1x128xi32, #tpu.memory_space<vmem>>
    %dma_start3A_1160 = tpu.memref_squeeze %dma_start3A_1159 : memref<1x128xi32, #tpu.memory_space<vmem>> -> memref<128xi32, #tpu.memory_space<vmem>>
    %dma_start3A_1161 = arith.constant 0 : i32
    %dma_start3A_1162 = tpu.memref_slice %arg5[%dma_start3A_1157, %dma_start3A_1161] : memref<5x128xi32, #tpu.memory_space<vmem>> -> memref<1x128xi32, #tpu.memory_space<vmem>>
    %dma_start3A_1163 = tpu.memref_squeeze %dma_start3A_1162 : memref<1x128xi32, #tpu.memory_space<vmem>> -> memref<128xi32, #tpu.memory_space<vmem>>
    %dma_start3A_1164 = arith.constant 0 : i32
    %dma_start3A_1165 = tpu.memref_slice %arg3[%dma_start3A_1164] : memref<22528xi32, #tpu.memory_space<hbm>> -> memref<22528xi32, #tpu.memory_space<hbm>>
    tpu.enqueue_indirect_dma source(%dma_start3A_1160 : memref<128xi32, #tpu.memory_space<vmem>>) target(%dma_start3A_1165 : memref<22528xi32, #tpu.memory_space<hbm>>) offsets(%dma_start3A_1163 : memref<128xi32, #tpu.memory_space<vmem>>) semaphore(%arg7 : memref<!tpu.dma_semaphore, #tpu.memory_space<semaphore_mem>>)
    %dma_wait3A_1166 = arith.constant 4 : i32
    %dma_wait3A_1167 = arith.constant 4 : i32
    %dma_wait3A_1168 = arith.constant 0 : i32
    %dma_wait3A_1169 = tpu.memref_slice %arg6[%dma_wait3A_1166, %dma_wait3A_1168] : memref<5x128xi32, #tpu.memory_space<vmem>> -> memref<1x128xi32, #tpu.memory_space<vmem>>
    %dma_wait3A_1170 = tpu.memref_squeeze %dma_wait3A_1169 : memref<1x128xi32, #tpu.memory_space<vmem>> -> memref<128xi32, #tpu.memory_space<vmem>>
    %dma_wait3A_1171 = arith.constant 0 : i32
    %dma_wait3A_1172 = tpu.memref_slice %arg5[%dma_wait3A_1167, %dma_wait3A_1171] : memref<5x128xi32, #tpu.memory_space<vmem>> -> memref<1x128xi32, #tpu.memory_space<vmem>>
    %dma_wait3A_1173 = tpu.memref_squeeze %dma_wait3A_1172 : memref<1x128xi32, #tpu.memory_space<vmem>> -> memref<128xi32, #tpu.memory_space<vmem>>
    %dma_wait3A_1174 = arith.constant 0 : i32
    %dma_wait3A_1175 = tpu.memref_slice %arg3[%dma_wait3A_1174] : memref<22528xi32, #tpu.memory_space<hbm>> -> memref<22528xi32, #tpu.memory_space<hbm>>
    tpu.wait_indirect_dma semaphore(%arg7 : memref<!tpu.dma_semaphore, #tpu.memory_space<semaphore_mem>>) src(%dma_wait3A_1170 : memref<128xi32, #tpu.memory_space<vmem>>) dst(%dma_wait3A_1175 : memref<22528xi32, #tpu.memory_space<hbm>>)
    return
  }
}

module attributes {stable_mosaic.version = 14 : i64} {
  func.func @_k0_key_clip(%arg0: memref<160x128xf32, #tpu.memory_space<vmem>>, %arg1: memref<160x128xf32, #tpu.memory_space<vmem>>, %arg2: memref<160x128xf32, #tpu.memory_space<vmem>>, %arg3: memref<160x128xf32, #tpu.memory_space<vmem>>, %arg4: memref<160x128xf32, #tpu.memory_space<vmem>>, %arg5: memref<160x128xi32, #tpu.memory_space<vmem>>, %arg6: memref<160x128xf32, #tpu.memory_space<vmem>>, %arg7: memref<160x128xf32, #tpu.memory_space<vmem>>, %arg8: memref<160x128xf32, #tpu.memory_space<vmem>>, %arg9: memref<160x128xf32, #tpu.memory_space<vmem>>) attributes {dimension_semantics = [], scalar_prefetch = 0 : i64, scratch_operands = 0 : i64, tpu.core_type = #tpu.core_type<tc>} {
    %get3A = arith.constant 0 : index
    %get3A_0 = arith.constant 0 : index
    %get3A_1 = vector.load %arg0[%get3A, %get3A_0] : memref<160x128xf32, #tpu.memory_space<vmem>>, vector<160x128xf32>
    %get3A_2 = arith.constant 0 : index
    %get3A_3 = arith.constant 0 : index
    %get3A_4 = vector.load %arg1[%get3A_2, %get3A_3] : memref<160x128xf32, #tpu.memory_space<vmem>>, vector<160x128xf32>
    %get3A_5 = arith.constant 0 : index
    %get3A_6 = arith.constant 0 : index
    %get3A_7 = vector.load %arg2[%get3A_5, %get3A_6] : memref<160x128xf32, #tpu.memory_space<vmem>>, vector<160x128xf32>
    %get3A_8 = arith.constant 0 : index
    %get3A_9 = arith.constant 0 : index
    %get3A_10 = vector.load %arg3[%get3A_8, %get3A_9] : memref<160x128xf32, #tpu.memory_space<vmem>>, vector<160x128xf32>
    %get3A_11 = arith.constant 0 : index
    %get3A_12 = arith.constant 0 : index
    %get3A_13 = vector.load %arg4[%get3A_11, %get3A_12] : memref<160x128xf32, #tpu.memory_space<vmem>>, vector<160x128xf32>
    %mul3A = arith.constant 5.000000e-01 : f32
    %mul3A_14 = vector.broadcast %mul3A : f32 to vector<160x128xf32>
    %mul3A_15 = arith.mulf %get3A_7, %mul3A_14 : vector<160x128xf32>
    %sub3A = arith.subf %get3A_1, %mul3A_15 : vector<160x128xf32>
    %max3A = arith.constant 0.000000e+00 : f32
    %max3A_16 = vector.broadcast %max3A : f32 to vector<160x128xf32>
    %max3A_17 = arith.maximumf %sub3A, %max3A_16 : vector<160x128xf32>
    %mul3A_18 = arith.constant 5.000000e-01 : f32
    %mul3A_19 = vector.broadcast %mul3A_18 : f32 to vector<160x128xf32>
    %mul3A_20 = arith.mulf %get3A_10, %mul3A_19 : vector<160x128xf32>
    %sub3A_21 = arith.subf %get3A_4, %mul3A_20 : vector<160x128xf32>
    %max3A_22 = arith.constant 0.000000e+00 : f32
    %max3A_23 = vector.broadcast %max3A_22 : f32 to vector<160x128xf32>
    %max3A_24 = arith.maximumf %sub3A_21, %max3A_23 : vector<160x128xf32>
    %mul3A_25 = arith.constant 5.000000e-01 : f32
    %mul3A_26 = vector.broadcast %mul3A_25 : f32 to vector<160x128xf32>
    %mul3A_27 = arith.mulf %get3A_7, %mul3A_26 : vector<160x128xf32>
    %add3A = arith.addf %get3A_1, %mul3A_27 : vector<160x128xf32>
    %min3A = arith.constant 5.120000e+02 : f32
    %min3A_28 = vector.broadcast %min3A : f32 to vector<160x128xf32>
    %min3A_29 = arith.minimumf %add3A, %min3A_28 : vector<160x128xf32>
    %mul3A_30 = arith.constant 5.000000e-01 : f32
    %mul3A_31 = vector.broadcast %mul3A_30 : f32 to vector<160x128xf32>
    %mul3A_32 = arith.mulf %get3A_10, %mul3A_31 : vector<160x128xf32>
    %add3A_33 = arith.addf %get3A_4, %mul3A_32 : vector<160x128xf32>
    %min3A_34 = arith.constant 5.120000e+02 : f32
    %min3A_35 = vector.broadcast %min3A_34 : f32 to vector<160x128xf32>
    %min3A_36 = arith.minimumf %add3A_33, %min3A_35 : vector<160x128xf32>
    %sub3A_37 = arith.subf %min3A_29, %max3A_17 : vector<160x128xf32>
    %max3A_38 = arith.constant 0.000000e+00 : f32
    %max3A_39 = vector.broadcast %max3A_38 : f32 to vector<160x128xf32>
    %max3A_40 = arith.maximumf %sub3A_37, %max3A_39 : vector<160x128xf32>
    %sub3A_41 = arith.subf %min3A_36, %max3A_24 : vector<160x128xf32>
    %max3A_42 = arith.constant 0.000000e+00 : f32
    %max3A_43 = vector.broadcast %max3A_42 : f32 to vector<160x128xf32>
    %max3A_44 = arith.maximumf %sub3A_41, %max3A_43 : vector<160x128xf32>
    %add3A_45 = arith.addf %max3A_17, %min3A_29 : vector<160x128xf32>
    %mul3A_46 = arith.constant 5.000000e-01 : f32
    %mul3A_47 = vector.broadcast %mul3A_46 : f32 to vector<160x128xf32>
    %mul3A_48 = arith.mulf %add3A_45, %mul3A_47 : vector<160x128xf32>
    %swap3A = arith.constant 0 : index
    %swap3A_49 = arith.constant 0 : index
    %swap3A_50 = vector.load %arg6[%swap3A, %swap3A_49] : memref<160x128xf32, #tpu.memory_space<vmem>>, vector<160x128xf32>
    tpu.vector_store %arg6[%swap3A, %swap3A_49], %mul3A_48 {strides = array<i32>} : memref<160x128xf32, #tpu.memory_space<vmem>>, vector<160x128xf32>,
    %add3A_51 = arith.addf %max3A_24, %min3A_36 : vector<160x128xf32>
    %mul3A_52 = arith.constant 5.000000e-01 : f32
    %mul3A_53 = vector.broadcast %mul3A_52 : f32 to vector<160x128xf32>
    %mul3A_54 = arith.mulf %add3A_51, %mul3A_53 : vector<160x128xf32>
    %swap3A_55 = arith.constant 0 : index
    %swap3A_56 = arith.constant 0 : index
    %swap3A_57 = vector.load %arg7[%swap3A_55, %swap3A_56] : memref<160x128xf32, #tpu.memory_space<vmem>>, vector<160x128xf32>
    tpu.vector_store %arg7[%swap3A_55, %swap3A_56], %mul3A_54 {strides = array<i32>} : memref<160x128xf32, #tpu.memory_space<vmem>>, vector<160x128xf32>,
    %swap3A_58 = arith.constant 0 : index
    %swap3A_59 = arith.constant 0 : index
    %swap3A_60 = vector.load %arg8[%swap3A_58, %swap3A_59] : memref<160x128xf32, #tpu.memory_space<vmem>>, vector<160x128xf32>
    tpu.vector_store %arg8[%swap3A_58, %swap3A_59], %max3A_40 {strides = array<i32>} : memref<160x128xf32, #tpu.memory_space<vmem>>, vector<160x128xf32>,
    %swap3A_61 = arith.constant 0 : index
    %swap3A_62 = arith.constant 0 : index
    %swap3A_63 = vector.load %arg9[%swap3A_61, %swap3A_62] : memref<160x128xf32, #tpu.memory_space<vmem>>, vector<160x128xf32>
    tpu.vector_store %arg9[%swap3A_61, %swap3A_62], %max3A_44 {strides = array<i32>} : memref<160x128xf32, #tpu.memory_space<vmem>>, vector<160x128xf32>,
    %gt3A = arith.constant 3.000000e+01 : f32
    %gt3A_64 = vector.broadcast %gt3A : f32 to vector<160x128xf32>
    %gt3A_65 = arith.cmpf ogt, %max3A_40, %gt3A_64 : vector<160x128xf32>
    %gt3A_66 = arith.constant 3.000000e+01 : f32
    %gt3A_67 = vector.broadcast %gt3A_66 : f32 to vector<160x128xf32>
    %gt3A_68 = arith.cmpf ogt, %max3A_44, %gt3A_67 : vector<160x128xf32>
    %and3A = arith.andi %gt3A_65, %gt3A_68 : vector<160x128xi1>
    %sub3A_69 = arith.constant 1.000000e+00 : f32
    %sub3A_70 = vector.broadcast %sub3A_69 : f32 to vector<160x128xf32>
    %sub3A_71 = arith.subf %sub3A_70, %get3A_13 : vector<160x128xf32>
    %bitcast_convert_type3A = tpu.bitcast %sub3A_71 : vector<160x128xf32> -> vector<160x128xi32>
    %mul3A_72 = arith.constant 2 : i32
    %mul3A_73 = vector.broadcast %mul3A_72 : i32 to vector<160x128xi32>
    %mul3A_74 = arith.muli %bitcast_convert_type3A, %mul3A_73 : vector<160x128xi32>
    %jit3A = arith.constant -1073741824 : i32
    %broadcast_in_dim3A = vector.broadcast %jit3A : i32 to vector<160x128xi32>
    %select_n3A = arith.select %and3A, %mul3A_74, %broadcast_in_dim3A : vector<160x128xi1>, vector<160x128xi32>
    %swap3A_75 = arith.constant 0 : index
    %swap3A_76 = arith.constant 0 : index
    %swap3A_77 = vector.load %arg5[%swap3A_75, %swap3A_76] : memref<160x128xi32, #tpu.memory_space<vmem>>, vector<160x128xi32>
    tpu.vector_store %arg5[%swap3A_75, %swap3A_76], %select_n3A {strides = array<i32>} : memref<160x128xi32, #tpu.memory_space<vmem>>, vector<160x128xi32>,
    return
  }
}

module attributes {stable_mosaic.version = 14 : i64} {
  func.func @_k1_rank(%arg0: i32, %arg1: memref<1x20480xi32, #tpu.memory_space<vmem>>, %arg2: memref<128x1xi32, #tpu.memory_space<vmem>>, %arg3: memref<128x1xf32, #tpu.memory_space<vmem>>) attributes {dimension_semantics = [#tpu.dimension_semantics<arbitrary>], iteration_bounds = array<i64: 160>, scalar_prefetch = 0 : i64, scratch_operands = 0 : i64, tpu.core_type = #tpu.core_type<tc>, window_params = [{pipeline_mode = #tpu.pipeline_mode<synchronous>, transform_indices = @transform_0, window_bounds = array<i64: 1, 20480>}, {transform_indices = @transform_1, window_bounds = array<i64: 128, 1>}, {transform_indices = @transform_2, window_bounds = array<i64: 128, 1>}]} {
    %mul3A = arith.constant 128 : i32
    %mul3A_0 = arith.muli %arg0, %mul3A : i32
    %get3A = arith.constant 0 : index
    %get3A_1 = arith.constant 0 : index
    %get3A_2 = vector.load %arg2[%get3A, %get3A_1] : memref<128x1xi32, #tpu.memory_space<vmem>>, vector<128x1xi32>
    %sub3A = arith.constant 1 : i32
    %sub3A_3 = vector.broadcast %sub3A : i32 to vector<128x1xi32>
    %sub3A_4 = arith.subi %get3A_2, %sub3A_3 : vector<128x1xi32>
    %iota3A = tpu.iota {dimensions = array<i32: 0>} : vector<128x1xi32>
    %add3A = vector.broadcast %mul3A_0 : i32 to vector<128x1xi32>
    %add3A_5 = arith.addi %add3A, %iota3A : vector<128x1xi32>
    %get3A_6 = arith.constant 0 : index
    %get3A_7 = arith.constant 0 : index
    %get3A_8 = vector.load %arg1[%get3A_6, %get3A_7] : memref<1x20480xi32, #tpu.memory_space<vmem>>, vector<1x20480xi32>
    %broadcast_in_dim3A = arith.constant 0.000000e+00 : f32
    %broadcast_in_dim3A_9 = vector.broadcast %broadcast_in_dim3A : f32 to vector<128x1xf32>
    %slice3A = vector.extract_strided_slice %get3A_8 {offsets = [0, 0], sizes = [1, 5120], strides = [1, 1]} : vector<1x20480xi32> to vector<1x5120xi32>
    %iota3A_10 = tpu.iota {dimensions = array<i32: 1>} : vector<1x5120xi32>
    %add3A_11 = arith.constant 0 : i32
    %add3A_12 = vector.broadcast %add3A_11 : i32 to vector<1x5120xi32>
    %add3A_13 = arith.addi %add3A_12, %iota3A_10 : vector<1x5120xi32>
    %lt3A = vector.broadcast %add3A_13 : vector<1x5120xi32> to vector<128x5120xi32>
    %lt3A_14 = vector.broadcast %add3A_5 : vector<128x1xi32> to vector<128x5120xi32>
    %lt3A_15 = arith.cmpi slt, %lt3A, %lt3A_14 : vector<128x5120xi32>
    %broadcast_in_dim3A_16 = vector.shape_cast %sub3A_4 : vector<128x1xi32> to vector<128x1xi32>
    %broadcast_in_dim3A_17 = vector.broadcast %broadcast_in_dim3A_16 : vector<128x1xi32> to vector<128x5120xi32>
    %broadcast_in_dim3A_18 = vector.shape_cast %get3A_2 : vector<128x1xi32> to vector<128x1xi32>
    %broadcast_in_dim3A_19 = vector.broadcast %broadcast_in_dim3A_18 : vector<128x1xi32> to vector<128x5120xi32>
    %select_n3A = arith.select %lt3A_15, %broadcast_in_dim3A_17, %broadcast_in_dim3A_19 : vector<128x5120xi1>, vector<128x5120xi32>
    %gt3A = vector.broadcast %slice3A : vector<1x5120xi32> to vector<128x5120xi32>
    %gt3A_20 = arith.cmpi sgt, %gt3A, %select_n3A : vector<128x5120xi32>
    %jit3A = arith.constant 1.000000e+00 : f32
    %jit3A_21 = arith.constant 0.000000e+00 : f32
    %broadcast_in_dim3A_22 = vector.broadcast %jit3A : f32 to vector<128x5120xf32>
    %broadcast_in_dim3A_23 = vector.broadcast %jit3A_21 : f32 to vector<128x5120xf32>
    %select_n3A_24 = arith.select %gt3A_20, %broadcast_in_dim3A_22, %broadcast_in_dim3A_23 : vector<128x5120xi1>, vector<128x5120xf32>
    %reduce_sum3A = arith.constant dense<0.000000e+00> : vector<128xf32>
    %reduce_sum3A_25 = vector.multi_reduction <add>, %select_n3A_24, %reduce_sum3A [1] : vector<128x5120xf32> to vector<128xf32>
    %broadcast_in_dim3A_26 = vector.shape_cast %reduce_sum3A_25 : vector<128xf32> to vector<128x1xf32>
    %add3A_27 = arith.addf %broadcast_in_dim3A_9, %broadcast_in_dim3A_26 : vector<128x1xf32>
    %slice3A_28 = vector.extract_strided_slice %get3A_8 {offsets = [0, 5120], sizes = [1, 5120], strides = [1, 1]} : vector<1x20480xi32> to vector<1x5120xi32>
    %iota3A_29 = tpu.iota {dimensions = array<i32: 1>} : vector<1x5120xi32>
    %add3A_30 = arith.constant 5120 : i32
    %add3A_31 = vector.broadcast %add3A_30 : i32 to vector<1x5120xi32>
    %add3A_32 = arith.addi %add3A_31, %iota3A_29 : vector<1x5120xi32>
    %lt3A_33 = vector.broadcast %add3A_32 : vector<1x5120xi32> to vector<128x5120xi32>
    %lt3A_34 = vector.broadcast %add3A_5 : vector<128x1xi32> to vector<128x5120xi32>
    %lt3A_35 = arith.cmpi slt, %lt3A_33, %lt3A_34 : vector<128x5120xi32>
    %broadcast_in_dim3A_36 = vector.shape_cast %sub3A_4 : vector<128x1xi32> to vector<128x1xi32>
    %broadcast_in_dim3A_37 = vector.broadcast %broadcast_in_dim3A_36 : vector<128x1xi32> to vector<128x5120xi32>
    %broadcast_in_dim3A_38 = vector.shape_cast %get3A_2 : vector<128x1xi32> to vector<128x1xi32>
    %broadcast_in_dim3A_39 = vector.broadcast %broadcast_in_dim3A_38 : vector<128x1xi32> to vector<128x5120xi32>
    %select_n3A_40 = arith.select %lt3A_35, %broadcast_in_dim3A_37, %broadcast_in_dim3A_39 : vector<128x5120xi1>, vector<128x5120xi32>
    %gt3A_41 = vector.broadcast %slice3A_28 : vector<1x5120xi32> to vector<128x5120xi32>
    %gt3A_42 = arith.cmpi sgt, %gt3A_41, %select_n3A_40 : vector<128x5120xi32>
    %jit3A_43 = arith.constant 1.000000e+00 : f32
    %jit3A_44 = arith.constant 0.000000e+00 : f32
    %broadcast_in_dim3A_45 = vector.broadcast %jit3A_43 : f32 to vector<128x5120xf32>
    %broadcast_in_dim3A_46 = vector.broadcast %jit3A_44 : f32 to vector<128x5120xf32>
    %select_n3A_47 = arith.select %gt3A_42, %broadcast_in_dim3A_45, %broadcast_in_dim3A_46 : vector<128x5120xi1>, vector<128x5120xf32>
    %reduce_sum3A_48 = arith.constant dense<0.000000e+00> : vector<128xf32>
    %reduce_sum3A_49 = vector.multi_reduction <add>, %select_n3A_47, %reduce_sum3A_48 [1] : vector<128x5120xf32> to vector<128xf32>
    %broadcast_in_dim3A_50 = vector.shape_cast %reduce_sum3A_49 : vector<128xf32> to vector<128x1xf32>
    %add3A_51 = arith.addf %add3A_27, %broadcast_in_dim3A_50 : vector<128x1xf32>
    %slice3A_52 = vector.extract_strided_slice %get3A_8 {offsets = [0, 10240], sizes = [1, 5120], strides = [1, 1]} : vector<1x20480xi32> to vector<1x5120xi32>
    %iota3A_53 = tpu.iota {dimensions = array<i32: 1>} : vector<1x5120xi32>
    %add3A_54 = arith.constant 10240 : i32
    %add3A_55 = vector.broadcast %add3A_54 : i32 to vector<1x5120xi32>
    %add3A_56 = arith.addi %add3A_55, %iota3A_53 : vector<1x5120xi32>
    %lt3A_57 = vector.broadcast %add3A_56 : vector<1x5120xi32> to vector<128x5120xi32>
    %lt3A_58 = vector.broadcast %add3A_5 : vector<128x1xi32> to vector<128x5120xi32>
    %lt3A_59 = arith.cmpi slt, %lt3A_57, %lt3A_58 : vector<128x5120xi32>
    %broadcast_in_dim3A_60 = vector.shape_cast %sub3A_4 : vector<128x1xi32> to vector<128x1xi32>
    %broadcast_in_dim3A_61 = vector.broadcast %broadcast_in_dim3A_60 : vector<128x1xi32> to vector<128x5120xi32>
    %broadcast_in_dim3A_62 = vector.shape_cast %get3A_2 : vector<128x1xi32> to vector<128x1xi32>
    %broadcast_in_dim3A_63 = vector.broadcast %broadcast_in_dim3A_62 : vector<128x1xi32> to vector<128x5120xi32>
    %select_n3A_64 = arith.select %lt3A_59, %broadcast_in_dim3A_61, %broadcast_in_dim3A_63 : vector<128x5120xi1>, vector<128x5120xi32>
    %gt3A_65 = vector.broadcast %slice3A_52 : vector<1x5120xi32> to vector<128x5120xi32>
    %gt3A_66 = arith.cmpi sgt, %gt3A_65, %select_n3A_64 : vector<128x5120xi32>
    %jit3A_67 = arith.constant 1.000000e+00 : f32
    %jit3A_68 = arith.constant 0.000000e+00 : f32
    %broadcast_in_dim3A_69 = vector.broadcast %jit3A_67 : f32 to vector<128x5120xf32>
    %broadcast_in_dim3A_70 = vector.broadcast %jit3A_68 : f32 to vector<128x5120xf32>
    %select_n3A_71 = arith.select %gt3A_66, %broadcast_in_dim3A_69, %broadcast_in_dim3A_70 : vector<128x5120xi1>, vector<128x5120xf32>
    %reduce_sum3A_72 = arith.constant dense<0.000000e+00> : vector<128xf32>
    %reduce_sum3A_73 = vector.multi_reduction <add>, %select_n3A_71, %reduce_sum3A_72 [1] : vector<128x5120xf32> to vector<128xf32>
    %broadcast_in_dim3A_74 = vector.shape_cast %reduce_sum3A_73 : vector<128xf32> to vector<128x1xf32>
    %add3A_75 = arith.addf %add3A_51, %broadcast_in_dim3A_74 : vector<128x1xf32>
    %slice3A_76 = vector.extract_strided_slice %get3A_8 {offsets = [0, 15360], sizes = [1, 5120], strides = [1, 1]} : vector<1x20480xi32> to vector<1x5120xi32>
    %iota3A_77 = tpu.iota {dimensions = array<i32: 1>} : vector<1x5120xi32>
    %add3A_78 = arith.constant 15360 : i32
    %add3A_79 = vector.broadcast %add3A_78 : i32 to vector<1x5120xi32>
    %add3A_80 = arith.addi %add3A_79, %iota3A_77 : vector<1x5120xi32>
    %lt3A_81 = vector.broadcast %add3A_80 : vector<1x5120xi32> to vector<128x5120xi32>
    %lt3A_82 = vector.broadcast %add3A_5 : vector<128x1xi32> to vector<128x5120xi32>
    %lt3A_83 = arith.cmpi slt, %lt3A_81, %lt3A_82 : vector<128x5120xi32>
    %broadcast_in_dim3A_84 = vector.shape_cast %sub3A_4 : vector<128x1xi32> to vector<128x1xi32>
    %broadcast_in_dim3A_85 = vector.broadcast %broadcast_in_dim3A_84 : vector<128x1xi32> to vector<128x5120xi32>
    %broadcast_in_dim3A_86 = vector.shape_cast %get3A_2 : vector<128x1xi32> to vector<128x1xi32>
    %broadcast_in_dim3A_87 = vector.broadcast %broadcast_in_dim3A_86 : vector<128x1xi32> to vector<128x5120xi32>
    %select_n3A_88 = arith.select %lt3A_83, %broadcast_in_dim3A_85, %broadcast_in_dim3A_87 : vector<128x5120xi1>, vector<128x5120xi32>
    %gt3A_89 = vector.broadcast %slice3A_76 : vector<1x5120xi32> to vector<128x5120xi32>
    %gt3A_90 = arith.cmpi sgt, %gt3A_89, %select_n3A_88 : vector<128x5120xi32>
    %jit3A_91 = arith.constant 1.000000e+00 : f32
    %jit3A_92 = arith.constant 0.000000e+00 : f32
    %broadcast_in_dim3A_93 = vector.broadcast %jit3A_91 : f32 to vector<128x5120xf32>
    %broadcast_in_dim3A_94 = vector.broadcast %jit3A_92 : f32 to vector<128x5120xf32>
    %select_n3A_95 = arith.select %gt3A_90, %broadcast_in_dim3A_93, %broadcast_in_dim3A_94 : vector<128x5120xi1>, vector<128x5120xf32>
    %reduce_sum3A_96 = arith.constant dense<0.000000e+00> : vector<128xf32>
    %reduce_sum3A_97 = vector.multi_reduction <add>, %select_n3A_95, %reduce_sum3A_96 [1] : vector<128x5120xf32> to vector<128xf32>
    %broadcast_in_dim3A_98 = vector.shape_cast %reduce_sum3A_97 : vector<128xf32> to vector<128x1xf32>
    %add3A_99 = arith.addf %add3A_75, %broadcast_in_dim3A_98 : vector<128x1xf32>
    %swap3A = arith.constant 0 : index
    %swap3A_100 = arith.constant 0 : index
    %swap3A_101 = vector.load %arg3[%swap3A, %swap3A_100] : memref<128x1xf32, #tpu.memory_space<vmem>>, vector<128x1xf32>
    tpu.vector_store %arg3[%swap3A, %swap3A_100], %add3A_99 {strides = array<i32>} : memref<128x1xf32, #tpu.memory_space<vmem>>, vector<128x1xf32>,
    return
  }
  func.func @transform_0(%arg0: i32) -> (i32, i32) {
    %c0_i32 = arith.constant 0 : i32
    %c0_i32_0 = arith.constant 0 : i32
    %c0_i32_1 = arith.constant 0 : i32
    return %c0_i32, %c0_i32_0 : i32, i32
  }
  func.func @transform_1(%arg0: i32) -> (i32, i32) {
    %c0_i32 = arith.constant 0 : i32
    %c0_i32_0 = arith.constant 0 : i32
    return %arg0, %c0_i32 : i32, i32
  }
  func.func @transform_2(%arg0: i32) -> (i32, i32) {
    %c0_i32 = arith.constant 0 : i32
    %c0_i32_0 = arith.constant 0 : i32
    return %arg0, %c0_i32 : i32, i32
  }
}

</mosaic_0001>

<sc_bundles>
// kernel: kernel.6.cloned.1.call-start
scs
__scs_entry_jumppad:
0x0: {  	(pc) =	sbr.rel $0x88, $3  }
0x1: {  	(tag) =	ssettag $0x0;
	lr =	simm.s32 $0x1  }
0x2: {  	[smem:$0x3F9E] =	sst lr;
	_ =	strace $0xD0000000  }
0x3: {  	_ = 	snop  }
0x4: {  	_ = 	snop  }
0x5: {  	_ = 	snop  }
0x6: {  	_ = 	snop  }
0x7: {  	_ = 	snop  }
__scs_overlays_trampoline_lowered:
0x8: {  	[smem:$0x3FAD] =	sst s0  }
0x9: {  	[smem:$0x3FAE] =	sst s1  }
0xa: {  	[smem:$0x3FAF] =	sst s2  }
0xb: {  	[smem:$0x3FB0] =	sst s3  }
0xc: {  	[smem:$0x3FB1] =	sst s4  }
0xd: {  	[smem:$0x3FB2] =	sst s5  }
0xe: {  	[smem:$0x3FB3] =	sst s6  }
0xf: {  	[smem:$0x3FB4] =	sst s7  }
0x10: {  	[smem:$0x3FB5] =	sst s8  }
0x11: {  	[smem:$0x3FB6] =	sst s9;
	s0 =	simm.s32 @!p0 $0x0  }
0x12: {  	s1 =	sld [smem:$0x3F9C];
	s0 =	simm.s32 @p0 $0x1  }
0x13: {  	[smem:$0x3FB7] =	sst s0;
	s0 =	simm.s32 @!p1 $0x0  }
0x14: {  	s2 =	sld [smem:$0x3F9B];
	s0 =	simm.s32 @p1 $0x1  }
0x15: {  	[smem:$0x3FB8] =	sst s0;
	s0 =	simm.s32 @!p2 $0x0  }
0x16: {  	s3 =	sld [smem:$0x3FDB];
	s0 =	simm.s32 @p2 $0x1  }
0x17: {  	s4 =	simm.s32 $0x1BF5;
	[smem:$0x3FBA] =	sst s0  }
0x18: {  	s0 =	sld [smem:$0x3F9D];
	_ =	swait.ge [sflag:s4], $0x0  }
0x19: {  	s7 =	sld [smem:$0x3F9E]  }
0x1a: {  	s8 =	sadd.s32 $0xFFFFE003, lr  }
0x1b: {  	s9 =	sadd.s32 $0xFFFFFEF7, lr;
	s5 =	simm.s32 $0xFFFFFFFF;
	p2 =	slt.u32 s8, $0xFFFFF086  }
0x1c: {  	p1 =	slt.u32 s9, $0xF7A;
	s5 =	simm.s32 @!p2 $0x0  }
0x1d: {  	s5 =	simm.s32 @p1 $0x1;
	p0 =	seq.s32 s7, s2  }
0x1e: {  	s7 =	smul.u32 @!p0 $0xF7A, s2;
	p2 =	seq.s32 @!p0 s5, $0x0  }
0x1f: {  	s9 =	smul.u32 $0xF7A, s1;
	s8 =	simm.s32 @!p0 $0x1BF5;
	p2 =	por !p2, p0  }
0x20: {  	[sflag:s8] =	ssyncset.s32 @!p0 $0xFFFFF086;
	s6 =	sadd.s32 @!p0 s3, s7;
	s7 =	simm.s32 @!p0 $0x108  }
0x21: {  	s3 =	sadd.s32 s3, s9;
	s6 =	sadd.s32 @!p0 $0x88, s6;
	s7 =	simm.s32 @p2 $0x1082  }
0x22: {  	[simem:s7], [sflag:s8] =	dma.local @!p0 [hbm:s6], $0xF7A  }
0x23: {  	s9 =	sor.u32 $0xD0000000, s2;
	s6 =	simm.s32 $0x108;
	_ =	swait.ge @!p0 [sflag:s8], $0x0  }
0x24: {  	s3 =	sadd.s32 $0x88, s3;
	s6 =	simm.s32 @!p1 $0x1082;
	[sflag:s4] =	ssyncset.s32 $0xFFFFF086  }
0x25: {  	[simem:s6], [sflag:s4] =	dma.local [hbm:s3], $0xF7A  }
0x26: {  	[smem:$0x3F9E] =	sst s1;
	(tag) =	ssettag s2;
	_ =	strace s9  }
0x27: {  	s1 =	sld [smem:$0x3FAE]  }
0x28: {  	s2 =	sld [smem:$0x3FAF]  }
0x29: {  	s4 =	sld [smem:$0x3FB1]  }
0x2a: {  	p0 =	seq.s32 s5, $0x0;
	s5 =	sld [smem:$0x3FB2]  }
0x2b: {  	s6 =	sld [smem:$0x3FB3]  }
0x2c: {  	s7 =	sld [smem:$0x3FB4]  }
0x2d: {  	s3 =	simm.s32 $0x108;
	s8 =	sld [smem:$0x3FB5]  }
0x2e: {  	s3 =	simm.s32 @!p0 $0x1082;
	s9 =	sld [smem:$0x3FB6]  }
0x2f: {  	lr =	sadd.s32 s0, s3;
	s0 =	sld [smem:$0x3FAD]  }
0x30: {  	s3 =	sld [smem:$0x3FB0]  }
0x31: {  	[smem:$0x3FB9] =	sst s10  }
0x32: {  	s10 =	sld [smem:$0x3FB7];
	_ =	sdelay $0x3  }
0x33: {  	p0 =	seq.s32 s10, $0x1;
	s10 =	sld [smem:$0x3FB9];
	_ =	sdelay $0x3  }
0x34: {  	[smem:$0x3FB9] =	sst s10  }
0x35: {  	s10 =	sld [smem:$0x3FB8];
	_ =	sdelay $0x3  }
0x36: {  	p1 =	seq.s32 s10, $0x1;
	s10 =	sld [smem:$0x3FB9];
	_ =	sdelay $0x3  }
0x37: {  	[smem:$0x3FB9] =	sst s10  }
0x38: {  	s10 =	sld [smem:$0x3FBA]  }
0x39: {  	_ = 	snop;
	(pc) =	sbr.ind lr, $3  }
0x3a: {  	_ = 	snop  }
0x3b: {  	_ = 	snop  }
0x3c: {  	p2 =	seq.s32 s10, $0x1;
	s10 =	sld [smem:$0x3FB9]  }
0x3d: {  	_ =	shalt  }
0x3e: {  	_ =	shalt  }
0x3f: {  	_ =	shalt  }
0x40: {  	_ =	shalt  }
0x41: {  	_ =	shalt  }
0x42: {  	_ =	shalt  }
0x43: {  	_ =	shalt  }
0x44: {  	_ =	shalt  }
0x45: {  	_ =	shalt  }
0x46: {  	_ =	shalt  }
0x47: {  	_ =	shalt  }
0x48: {  	_ =	shalt  }
0x49: {  	_ =	shalt  }
0x4a: {  	_ =	shalt  }
0x4b: {  	_ =	shalt  }
0x4c: {  	_ =	shalt  }
0x4d: {  	_ =	shalt  }
0x4e: {  	_ =	shalt  }
0x4f: {  	_ =	shalt  }
0x50: {  	_ =	shalt  }
0x51: {  	_ =	shalt  }
0x52: {  	_ =	shalt  }
0x53: {  	_ =	shalt  }
0x54: {  	_ =	shalt  }
0x55: {  	_ =	shalt  }
0x56: {  	_ =	shalt  }
0x57: {  	_ =	shalt  }
0x58: {  	_ =	shalt  }
0x59: {  	_ =	shalt  }
0x5a: {  	_ =	shalt  }
0x5b: {  	_ =	shalt  }
0x5c: {  	_ =	shalt  }
0x5d: {  	_ =	shalt  }
0x5e: {  	_ =	shalt  }
0x5f: {  	_ =	shalt  }
0x60: {  	_ =	shalt  }
0x61: {  	_ =	shalt  }
0x62: {  	_ =	shalt  }
0x63: {  	_ =	shalt  }
0x64: {  	_ =	shalt  }
0x65: {  	_ =	shalt  }
0x66: {  	_ =	shalt  }
0x67: {  	_ =	shalt  }
0x68: {  	_ =	shalt  }
0x69: {  	_ =	shalt  }
0x6a: {  	_ =	shalt  }
0x6b: {  	_ =	shalt  }
0x6c: {  	_ =	shalt  }
0x6d: {  	_ =	shalt  }
0x6e: {  	_ =	shalt  }
0x6f: {  	_ =	shalt  }
0x70: {  	_ =	shalt  }
0x71: {  	_ =	shalt  }
0x72: {  	_ =	shalt  }
0x73: {  	_ =	shalt  }
0x74: {  	_ =	shalt  }
0x75: {  	_ =	shalt  }
0x76: {  	_ =	shalt  }
0x77: {  	_ =	shalt  }
0x78: {  	_ =	shalt  }
0x79: {  	_ =	shalt  }
0x7a: {  	_ =	shalt  }
0x7b: {  	_ =	shalt  }
0x7c: {  	_ =	shalt  }
0x7d: {  	_ =	shalt  }
0x7e: {  	_ =	shalt  }
0x7f: {  	_ =	shalt  }
0x80: {  	_ =	shalt  }
0x81: {  	_ =	shalt  }
0x82: {  	_ =	shalt  }
0x83: {  	_ =	shalt  }
0x84: {  	_ =	shalt  }
0x85: {  	_ =	shalt  }
0x86: {  	_ =	shalt  }
0x87: {  	_ =	shalt  }
.Lfunc_end0:
.L_simem_size_0:
called_computation_lowered:
.L_overlay_start_0:
0x88: {  	s2 =	sld [smem:$0x3FD9]  }
0x89: {  	s3 =	sld [smem:$0x3FFE];
	_ =	sdelay $0x1  }
0x8a: {  	s1 =	srdreg.scid  }
0x8b: {  	s0 =	sand.u32 $0x1, s1  }
0x8c: {  	s14 =	sshll.u32 s0, $0xA;
	s2 =	sadd.s32 s3, s2  }
0x8d: {  	s2 =	sadd.s32 s2, s14  }
0x8e: {  	[smem:$0x3FC5] =	sst s2  }
0x8f: {  	_ = 	snop  }
0x90: {  	s2 =	sld [smem:$0x3FD0];
	_ =	sdelay $0x2  }
0x91: {  	s15 =	simm.s32 $0xA;
	s4 =	simm.s32 $0x10  }
0x92: {  	[smem:s4], [sflag:s15] =	dma.local [hbm:s2], $0x1  }
0x93: {  	_ =	swait.eq [sflag:s15], $0x1  }
0x94: {  	[sflag:s15] =	ssyncset.done $0x0  }
0x95: {  	[sflag:s15] =	ssyncadd.s32 $0xFFFFFFFF  }
0x96: {  	s16 =	sld [smem:$0x11];
	(tm) =	ssettm $0x1  }
0x97: {  	s17 =	sld [smem:$0x3FFB];
	_ =	sdelay $0x3  }
0x98: {  	_ =	strace s17  }
0x99: {  	s3 =	sld [smem:$0x3FFC];
	_ =	sdelay $0x3  }
0x9a: {  	_ =	strace s3  }
0x9b: {  	s3 =	sld [smem:$0x3FFD];
	_ =	sdelay $0x3  }
0x9c: {  	_ =	strace s3  }
0x9d: {  	_ =	strace $0x8FFFFFFF  }
0x9e: {  	s18 =	sld [smem:$0x3FDB];
	_ =	sdelay $0x1  }
0x9f: {  	s19 =	simm.s32 $_scs_section_size  }
0xa0: {  	s5 =	simm.s32 $_size__tile_overlayer_lowered;
	s6 =	simm.s32 $_tile_overlayer_lowered  }
0xa1: {  	s22 =	simm.s32 $0x1BFF;
	s21 =	sshll.u32 s6, $0x1;
	s3 =	sadd.s32 s19, s18  }
0xa2: {  	s7 =	simm.s32 $0x0;
	s20 =	sshll.u32 s5, $0x1;
	s5 =	sadd.s32 s21, s3  }
0xa3: {  	[timem:s7], [sflag:s22] =	dma.local [hbm:s5], s20  }
0xa4: {  	_ =	swait.ge [sflag:s22], s20  }
0xa5: {  	s4 =	ssub.s32 $0x0, s20;
	[sflag:s22] =	ssyncset.done $0x0  }
0xa6: {  	[sflag:s22] =	ssyncadd.s32 s4;
	_ =	sdelay $0x1  }
0xa7: {  	s23 =	simm.s32 $0x1B8B  }
0xa8: {  	_ =	swait.ge [sflag:s23], $0x1  }
0xa9: {  	[sflag:s23] =	ssyncset.done $0x0  }
0xaa: {  	s25 =	simm.s32 $0x1B8E;
	s24 =	sld [smem:$0x3FFE];
	[sflag:s23] =	ssyncadd.s32 $0xFFFFFFFF  }
0xab: {  	s26 =	simm.s32 $execute0_lowered;
	[smem:$0x3FD2] =	sst s25  }
0xac: {  	s5 =	sshll.u32 s26, $0x1;
	_ =	strace $0x80000046;
	[dreg:$0x1] =	wrdreg $0xFFFFFFFF  }
0xad: {  	s28 =	simm.s32 $_size_execute0_lowered;
	s3 =	sadd.s32 s3, s5;
	[dreg:$0x0] =	wrdreg $0x0  }
0xae: {  	s5 =	sshll.u32 s28, $0x1;
	[dreg:$0x2] =	wrdreg s3  }
0xaf: {  	[dreg:$0x3] =	wrdreg s5  }
0xb0: {  	[dreg:$0x4] =	wrdreg $0xC0  }
0xb1: {  	_ =	task [dreg:s7], $0x5FFFF  }
0xb2: {  	[dreg:$0x1] =	wrdreg $0xFFFFFFFF  }
0xb3: {  	[dreg:$0x0] =	wrdreg $0x60  }
0xb4: {  	[dreg:$0x2] =	wrdreg s24  }
0xb5: {  	[dreg:$0x3] =	wrdreg s16  }
0xb6: {  	[dreg:$0x4] =	wrdreg $0x9  }
0xb7: {  	_ =	task.clear_ibuf [dreg:s7], $0x5FFFF;
	_ =	strace $0x90000046  }
0xb8: {  	s29 =	simm.s32 $0x9;
	_ =	strace $0x80000048  }
0xb9: {  	_ =	swait.ge [sflag:s29], $0x1  }
0xba: {  	[sflag:s29] =	ssyncadd.s32 $0xFFFFFFFF  }
0xbb: {  	_ =	strace $0x90000048  }
0xbc: {  	_ =	sfence  }
0xbd: {  	s30 =	sld [smem:$0x0];
	_ =	sdelay $0x2  }
0xbe: {  	s31 =	sshll.u32 s1, $0xD;
	s1 =	sshrl.u32 s1, $0x2  }
0xbf: {  	s3 =	sand.u32 $0x4000, s31;
	s1 =	sadd.s32 s1, s30  }
0xc0: {  	s0 =	sor.u32 s3, s0;
	s1 =	sshll.u32 s1, $0x11  }
0xc1: {  	s0 =	sor.u32 s1, s0  }
0xc2: {  	s0 =	sadd.s32 $0x8F2B, s0  }
0xc3: {  	[sflag:s0] =	ssyncadd.remote.s32 $0x1  }
0xc4: {  	_ =	sfence.sel $0xFFFF  }
0xc5: {  	[dreg:$0x0] =	wrdreg $0xFFFFFFFF;
	(pc) =	sbr.abs _section_cstart, $3  }
0xc6: {  	[dreg:$0x1] =	wrdreg $0xFFFFFFFF  }
0xc7: {  	_ =	task.clear_ibuf [dreg:s7], $0x2FFFF;
	_ =	strace $0x9FFFFFFF  }
0xc8: {  	(tm) =	ssettm $0x7FFFFFFF  }
0xc9: {  	_ =	shalt  }
tec
execute0_lowered:
.L_overlay_start_1:
0x0: {  	(tag) =	ssettag $0x1  }
0x1: {  	s1 =	srdreg.scid;
	s0 =	stileid.u32  }
0x2: {  	s5 =	sand.u32 $0x1, s1;
	s10 =	sshll.u32 s0, $0x1  }
0x3: {  	s1 =	sor.u32 s5, s10  }
0x4: {  	s4 =	smul.u32 $0x280, s1  }
0x5: {  	v0 =	vlaneseq.u32  }
0x6: {  	v15 =	vor.u32 $0x800, v0;
	v1 =	vor.u32 s4, v0  }
0x7: {  	s19 =	sadd.s32 $0xB0, s4;
	s20 =	sadd.s32 $0xC0, s4;
	[tilespmem:$0x1FE90] =	vst v1;
	v1 =	vadd.s32 s4, v15  }
0x8: {  	s21 =	sadd.s32 $0xD0, s4;
	s3 =	sadd.s32 $0xE0, s4;
	v23 =	vadd.s32 s19, v15;
	v24 =	vor.u32 s20, v0;
	v25 =	vadd.s32 s20, v15  }
0x9: {  	s22 =	sadd.s32 $0xF0, s4;
	v26 =	vor.u32 s21, v0;
	v27 =	vadd.s32 s21, v15;
	v28 =	vor.u32 s3, v0  }
0xa: {  	s1 =	sor.u32 $0x10, s4;
	s23 =	sadd.s32 $0x100, s4;
	v29 =	vadd.s32 s3, v15;
	v30 =	vor.u32 s22, v0;
	v31 =	vadd.s32 s22, v15  }
0xb: {  	s7 =	sadd.s32 $0x110, s4;
	v32 =	vor.u32 s23, v0;
	v33 =	vadd.s32 s23, v15;
	[tilespmem:$0x1FEA0] =	vst v1;
	v1 =	vor.u32 s1, v0  }
0xc: {  	s2 =	sor.u32 $0x20, s4;
	s8 =	sadd.s32 $0x120, s4;
	v34 =	vor.u32 s7, v0;
	v35 =	vadd.s32 s7, v15;
	[tilespmem:$0x1FEB0] =	vst v1;
	v1 =	vadd.s32 s1, v15  }
0xd: {  	s24 =	sadd.s32 $0x130, s4;
	v36 =	vor.u32 s8, v0;
	v37 =	vadd.s32 s8, v15;
	[tilespmem:$0x1FEC0] =	vst v1;
	v1 =	vor.u32 s2, v0  }
0xe: {  	s11 =	sor.u32 $0x30, s4;
	s25 =	sadd.s32 $0x140, s4;
	v38 =	vor.u32 s24, v0;
	v39 =	vadd.s32 s24, v15;
	[tilespmem:$0x1FED0] =	vst v1;
	v1 =	vadd.s32 s2, v15  }
0xf: {  	s26 =	sadd.s32 $0x150, s4;
	v40 =	vor.u32 s25, v0;
	v41 =	vadd.s32 s25, v15;
	[tilespmem:$0x1FEE0] =	vst v1;
	v1 =	vor.u32 s11, v0  }
0x10: {  	s12 =	sor.u32 $0x40, s4;
	s28 =	sadd.s32 $0x160, s4;
	v42 =	vor.u32 s26, v0;
	v43 =	vadd.s32 s26, v15;
	[tilespmem:$0x1FEF0] =	vst v1;
	v1 =	vadd.s32 s11, v15  }
0x11: {  	s29 =	sadd.s32 $0x170, s4;
	s30 =	sadd.s32 $0x180, s4;
	v44 =	vor.u32 s28, v0;
	v45 =	vadd.s32 s28, v15;
	[tilespmem:$0x1FF00] =	vst v1;
	v1 =	vor.u32 s12, v0  }
0x12: {  	s13 =	sor.u32 $0x50, s4;
	s9 =	sadd.s32 $0x190, s4;
	s10 =	sadd.s32 $0x1A0, s4;
	v46 =	vor.u32 s29, v0;
	v47 =	vor.u32 s30, v0;
	[tilespmem:$0x1FF10] =	vst v1;
	v1 =	vadd.s32 s12, v15  }
0x13: {  	s6 =	rddreg [dreg:$0x0];
	s5 =	ssub.s32 $0x2, s5;
	v48 =	vor.u32 s9, v0;
	v49 =	vor.u32 s10, v0;
	[tilespmem:$0x1FF20] =	vst v1;
	v1 =	vor.u32 s13, v0  }
0x14: {  	s14 =	sor.u32 $0x60, s4;
	s20 =	sadd.s32 $0x240, s4;
	s21 =	sadd.s32 $0x250, s4;
	v63 =	vadd.s32 s29, v15;
	v2 =	vadd.s32 s10, v15;
	[tilespmem:$0x1FF30] =	vst v1;
	v1 =	vadd.s32 s13, v15  }
0x15: {  	s15 =	sor.u32 $0x70, s4;
	s22 =	sadd.s32 $0x260, s4;
	s25 =	sadd.s32 $0x270, s4;
	v59 =	vor.u32 s20, v0;
	v60 =	vor.u32 s21, v0;
	[tilespmem:$0x1FF40] =	vst v1;
	v1 =	vor.u32 s14, v0  }
0x16: {  	s16 =	sadd.s32 $0x80, s4;
	s17 =	sadd.s32 $0x90, s4;
	s18 =	sadd.s32 $0xA0, s4;
	v61 =	vor.u32 s22, v0;
	v62 =	vor.u32 s25, v0;
	[tilespmem:$0x1FF50] =	vst v1;
	v1 =	vadd.s32 s14, v15  }
0x17: {  	s3 =	simm.s32 $0x0;
	s23 =	sshrl.u32 s4, $0x3;
	v12 =	vadd.s32 s20, v15;
	v13 =	vadd.s32 s21, v15;
	s11 =	sadd.s32 $0x1B0, s4;
	[tilespmem:$0x1FF60] =	vst v1;
	v1 =	vor.u32 s15, v0  }
0x18: {  	s24 =	sshrl.u32 s5, $0x1;
	s7 =	simm.s32 $0x80;
	v14 =	vadd.s32 s22, v15;
	v50 =	vor.u32 s11, v0;
	s12 =	sadd.s32 $0x1C0, s4;
	[tilespmem:$0x1FF70] =	vst v1;
	v1 =	vadd.s32 s15, v15  }
0x19: {  	s8 =	simm.s32 $0x280;
	s10 =	simm.s32 $0x1;
	v3 =	vadd.s32 s11, v15;
	v51 =	vor.u32 s12, v0;
	s13 =	sadd.s32 $0x1D0, s4;
	[tilespmem:$0x1FF80] =	vst v1;
	v1 =	vor.u32 s16, v0  }
0x1a: {  	[smem:$0x7FF] =	sst s3;
	s31 =	sadd.s32 s23, s6;
	v4 =	vadd.s32 s12, v15;
	v52 =	vor.u32 s13, v0;
	s14 =	sadd.s32 $0x1E0, s4;
	[tilespmem:$0x1FF90] =	vst v1;
	v1 =	vadd.s32 s16, v15  }
0x1b: {  	s5 =	ssub.s32 s5, s24;
	s6 =	simm.s32 $0x2;
	v5 =	vadd.s32 s13, v15;
	v53 =	vor.u32 s14, v0;
	s15 =	sadd.s32 $0x1F0, s4;
	[tilespmem:$0x1FFA0] =	vst v1;
	v1 =	vor.u32 s17, v0  }
0x1c: {  	s1 =	rddreg [dreg:$0x2];
	s5 =	smax.u32 s5, $0x1;
	v6 =	vadd.s32 s14, v15;
	v54 =	vor.u32 s15, v0;
	s16 =	sadd.s32 $0x200, s4;
	[tilespmem:$0x1FFB0] =	vst v1;
	v1 =	vadd.s32 s17, v15  }
0x1d: {  	s2 =	rddreg [dreg:$0x1];
	s11 =	simm.s32 $0x300;
	v7 =	vadd.s32 s15, v15;
	v55 =	vor.u32 s16, v0;
	s17 =	sadd.s32 $0x210, s4;
	[tilespmem:$0x1FFC0] =	vst v1;
	v1 =	vor.u32 s18, v0  }
0x1e: {  	s12 =	simm.s32 $0x700;
	s13 =	simm.s32 $0x380;
	v8 =	vadd.s32 s16, v15;
	v56 =	vor.u32 s17, v0;
	[tilespmem:$0x1FFD0] =	vst v1;
	v1 =	vadd.s32 s18, v15;
	s18 =	sadd.s32 $0x220, s4  }
0x1f: {  	s14 =	simm.s32 $0x780;
	s15 =	simm.s32 $0x400;
	v9 =	vadd.s32 s17, v15;
	[tilespmem:$0x1FFE0] =	vst v1;
	v1 =	vor.u32 s19, v0;
	s19 =	sadd.s32 $0x230, s4;
	v57 =	vor.u32 s18, v0  }
0x20: {  	s16 =	simm.s32 $0x800;
	s17 =	simm.s32 $0x480;
	s4 =	sadd.s32 $0x600, s31;
	v10 =	vadd.s32 s18, v15;
	[tilespmem:$0x1FFF0] =	vst v1;
	v58 =	vor.u32 s19, v0;
	v0 =	vadd.s32 s30, v15  }
0x21: {  	s18 =	simm.s32 $0x880;
	v1 =	vadd.s32 s9, v15;
	s9 =	simm.s32 $0x680;
	v11 =	vadd.s32 s19, v15;
	v15 =	vadd.s32 s25, v15;
	_ =	strace $0x80000047  }
.LBB2_1:
0x22: {  	[tilespmem:s3], [sflag:$0x2] =	stream.linear.gather [hbm4b:s4+s3], $0x280, $0x38;
	[tilespmem:$0xA80] =	vst v63  }
0x23: {  	_ =	swait.ge [sflag:s6], $0x280  }
0x24: {  	[sflag:s6] =	ssyncset.done $0x0  }
0x25: {  	[sflag:s6] =	ssyncadd.s32 $0xFFFFFD80  }
0x26: {  	v16 =	vld [tilespmem:$0x0]  }
0x27: {  	v22 =	vld [tilespmem:$0x1FEA0];
	_ =	sdelay $0x3  }
0x28: {  	vm0 =	vlt.s32 v16, $0x800  }
0x29: {  	v17 =	vld [tilespmem:$0x10];
	v16 =	vsel vm0, v16, v22  }
0x2a: {  	[tilespmem:$0x280] =	vst v16;
	v16 =	vld [tilespmem:$0x1FEC0];
	_ =	sdelay $0x3  }
0x2b: {  	vm13 =	vlt.s32 v17, $0x800  }
0x2c: {  	v18 =	vld [tilespmem:$0x20];
	v16 =	vsel vm13, v17, v16  }
0x2d: {  	[tilespmem:$0x290] =	vst v16;
	v16 =	vld [tilespmem:$0x1FEE0];
	_ =	sdelay $0x3  }
0x2e: {  	vm14 =	vlt.s32 v18, $0x800  }
0x2f: {  	v19 =	vld [tilespmem:$0x30];
	v16 =	vsel vm14, v18, v16  }
0x30: {  	[tilespmem:$0x2A0] =	vst v16;
	v16 =	vld [tilespmem:$0x1FF00];
	_ =	sdelay $0x3  }
0x31: {  	vm15 =	vlt.s32 v19, $0x800  }
0x32: {  	v20 =	vld [tilespmem:$0x40];
	v16 =	vsel vm15, v19, v16  }
0x33: {  	[tilespmem:$0x2B0] =	vst v16;
	v16 =	vld [tilespmem:$0x1FF20];
	_ =	sdelay $0x3  }
0x34: {  	vm4 =	vlt.s32 v20, $0x800  }
0x35: {  	v21 =	vld [tilespmem:$0x50];
	v16 =	vsel vm4, v20, v16  }
0x36: {  	[tilespmem:$0x2C0] =	vst v16;
	v16 =	vld [tilespmem:$0x1FF40];
	_ =	sdelay $0x3  }
0x37: {  	vm5 =	vlt.s32 v21, $0x800  }
0x38: {  	v22 =	vld [tilespmem:$0x60];
	v16 =	vsel vm5, v21, v16  }
0x39: {  	[tilespmem:$0x2D0] =	vst v16;
	v16 =	vld [tilespmem:$0x1FF60];
	_ =	sdelay $0x3  }
0x3a: {  	vm6 =	vlt.s32 v22, $0x800  }
0x3b: {  	v17 =	vld [tilespmem:$0x70];
	v16 =	vsel vm6, v22, v16  }
0x3c: {  	[tilespmem:$0x2E0] =	vst v16;
	v16 =	vld [tilespmem:$0x1FF80];
	_ =	sdelay $0x3  }
0x3d: {  	vm7 =	vlt.s32 v17, $0x800  }
0x3e: {  	v18 =	vld [tilespmem:$0x80];
	v16 =	vsel vm7, v17, v16  }
0x3f: {  	[tilespmem:$0x2F0] =	vst v16;
	v16 =	vld [tilespmem:$0x1FFA0];
	_ =	sdelay $0x3  }
0x40: {  	vm8 =	vlt.s32 v18, $0x800  }
0x41: {  	v19 =	vld [tilespmem:$0x90];
	v16 =	vsel vm8, v18, v16  }
0x42: {  	[tilespmem:$0x300] =	vst v16;
	v16 =	vld [tilespmem:$0x1FFC0];
	_ =	sdelay $0x3  }
0x43: {  	vm9 =	vlt.s32 v19, $0x800;
	v20 =	vld [tilespmem:$0xA0]  }
0x44: {  	v21 =	vld [tilespmem:$0xB0];
	v16 =	vsel vm9, v19, v16  }
0x45: {  	[tilespmem:$0x310] =	vst v16;
	v16 =	vld [tilespmem:$0x1FFE0]  }
0x46: {  	v22 =	vld [tilespmem:$0xC0]  }
0x47: {  	v17 =	vld [tilespmem:$0xD0]  }
0x48: {  	v18 =	vld [tilespmem:$0xE0]  }
0x49: {  	vm10 =	vlt.s32 v20, $0x800;
	v19 =	vld [tilespmem:$0xF0]  }
0x4a: {  	vm11 =	vlt.s32 v21, $0x800;
	v16 =	vsel vm10, v20, v16;
	v20 =	vld [tilespmem:$0x100]  }
0x4b: {  	vm12 =	vlt.s32 v22, $0x800;
	[tilespmem:$0x320] =	vst v16;
	v16 =	vsel vm11, v21, v23;
	v21 =	vld [tilespmem:$0x110]  }
0x4c: {  	vm13 =	vlt.s32 v17, $0x800;
	[tilespmem:$0x330] =	vst v16;
	v16 =	vsel vm12, v22, v25;
	v22 =	vld [tilespmem:$0x120]  }
0x4d: {  	vm14 =	vlt.s32 v18, $0x800;
	[tilespmem:$0x340] =	vst v16;
	v16 =	vsel vm13, v17, v27;
	v17 =	vld [tilespmem:$0x130]  }
0x4e: {  	vm15 =	vlt.s32 v19, $0x800;
	[tilespmem:$0x350] =	vst v16;
	v16 =	vsel vm14, v18, v29;
	v18 =	vld [tilespmem:$0x140]  }
0x4f: {  	[tilespmem:$0x360] =	vst v16;
	v16 =	vsel vm15, v19, v31;
	vm4 =	vlt.s32 v20, $0x800;
	v19 =	vld [tilespmem:$0x150]  }
0x50: {  	[tilespmem:$0x370] =	vst v16;
	v16 =	vsel vm4, v20, v33;
	vm5 =	vlt.s32 v21, $0x800;
	v20 =	vld [tilespmem:$0x160]  }
0x51: {  	[tilespmem:$0x380] =	vst v16;
	v16 =	vsel vm5, v21, v35;
	vm6 =	vlt.s32 v22, $0x800;
	v21 =	vld [tilespmem:$0x170]  }
0x52: {  	[tilespmem:$0x390] =	vst v16;
	v16 =	vsel vm6, v22, v37;
	vm7 =	vlt.s32 v17, $0x800;
	v22 =	vld [tilespmem:$0x180]  }
0x53: {  	[tilespmem:$0x3A0] =	vst v16;
	v16 =	vsel vm7, v17, v39;
	vm8 =	vlt.s32 v18, $0x800;
	v17 =	vld [tilespmem:$0x190]  }
0x54: {  	[tilespmem:$0x3B0] =	vst v16;
	v16 =	vsel vm8, v18, v41;
	vm9 =	vlt.s32 v19, $0x800;
	v18 =	vld [tilespmem:$0x1A0]  }
0x55: {  	[tilespmem:$0x3C0] =	vst v16;
	v16 =	vsel vm9, v19, v43;
	vm10 =	vlt.s32 v20, $0x800;
	v19 =	vld [tilespmem:$0x1B0]  }
0x56: {  	[tilespmem:$0x3D0] =	vst v16;
	v16 =	vsel vm10, v20, v45;
	vm11 =	vlt.s32 v21, $0x800;
	v20 =	vld [tilespmem:$0x1C0]  }
0x57: {  	[tilespmem:$0x3E0] =	vst v16;
	v16 =	vsel vm11, v21, v63;
	vm12 =	vlt.s32 v22, $0x800;
	v21 =	vld [tilespmem:$0x1D0]  }
0x58: {  	[tilespmem:$0x3F0] =	vst v16;
	v16 =	vsel vm12, v22, v0;
	vm13 =	vlt.s32 v17, $0x800;
	v22 =	vld [tilespmem:$0x1E0]  }
0x59: {  	[tilespmem:$0x400] =	vst v16;
	v16 =	vsel vm13, v17, v1;
	vm14 =	vlt.s32 v18, $0x800;
	v17 =	vld [tilespmem:$0x1F0]  }
0x5a: {  	[tilespmem:$0x410] =	vst v16;
	v16 =	vsel vm14, v18, v2;
	vm15 =	vlt.s32 v19, $0x800;
	v18 =	vld [tilespmem:$0x200]  }
0x5b: {  	[tilespmem:$0x420] =	vst v16;
	v16 =	vsel vm15, v19, v3;
	vm4 =	vlt.s32 v20, $0x800;
	v19 =	vld [tilespmem:$0x210]  }
0x5c: {  	[tilespmem:$0x430] =	vst v16;
	v16 =	vsel vm4, v20, v4;
	vm5 =	vlt.s32 v21, $0x800;
	v20 =	vld [tilespmem:$0x220]  }
0x5d: {  	[tilespmem:$0x440] =	vst v16;
	v16 =	vsel vm5, v21, v5;
	vm6 =	vlt.s32 v22, $0x800;
	v21 =	vld [tilespmem:$0x230]  }
0x5e: {  	[tilespmem:$0x450] =	vst v16;
	v16 =	vsel vm6, v22, v6;
	vm7 =	vlt.s32 v17, $0x800;
	v22 =	vld [tilespmem:$0x240]  }
0x5f: {  	[tilespmem:$0x460] =	vst v16;
	v16 =	vsel vm7, v17, v7;
	vm8 =	vlt.s32 v18, $0x800;
	v17 =	vld [tilespmem:$0x250]  }
0x60: {  	[tilespmem:$0x470] =	vst v16;
	v16 =	vsel vm8, v18, v8;
	vm9 =	vlt.s32 v19, $0x800;
	v18 =	vld [tilespmem:$0x260]  }
0x61: {  	[tilespmem:$0x480] =	vst v16;
	v16 =	vsel vm9, v19, v9;
	vm10 =	vlt.s32 v20, $0x800;
	v19 =	vld [tilespmem:$0x270]  }
0x62: {  	[tilespmem:$0x490] =	vst v16;
	v16 =	vsel vm10, v20, v10;
	vm11 =	vlt.s32 v21, $0x800  }
0x63: {  	[tilespmem:$0x4A0] =	vst v16;
	v16 =	vsel vm11, v21, v11;
	vm12 =	vlt.s32 v22, $0x800  }
0x64: {  	[tilespmem:$0x4B0] =	vst v16;
	v16 =	vsel vm12, v22, v12;
	vm13 =	vlt.s32 v17, $0x800  }
0x65: {  	[tilespmem:$0x4C0] =	vst v16;
	v16 =	vsel vm13, v17, v13;
	vm14 =	vlt.s32 v18, $0x800  }
0x66: {  	[tilespmem:$0x4D0] =	vst v16;
	v16 =	vsel vm14, v18, v14;
	vm15 =	vlt.s32 v19, $0x800  }
0x67: {  	[tilespmem:$0x4E0] =	vst v16;
	v16 =	vsel vm15, v19, v15  }
0x68: {  	[tilespmem:$0x4F0] =	vst v16;
	v16 =	vld [tilespmem:$0x1FE90];
	_ =	sdelay $0x4  }
0x69: {  	[tilespmem:$0x680] =	vst v16;
	v16 =	vld [tilespmem:$0x1FEB0];
	_ =	sdelay $0x4  }
0x6a: {  	[tilespmem:$0x690] =	vst v16;
	v16 =	vld [tilespmem:$0x1FED0];
	_ =	sdelay $0x4  }
0x6b: {  	[tilespmem:$0x6A0] =	vst v16;
	v16 =	vld [tilespmem:$0x1FEF0];
	_ =	sdelay $0x4  }
0x6c: {  	[tilespmem:$0x6B0] =	vst v16;
	v16 =	vld [tilespmem:$0x1FF10];
	_ =	sdelay $0x4  }
0x6d: {  	[tilespmem:$0x6C0] =	vst v16;
	v16 =	vld [tilespmem:$0x1FF30]  }
0x6e: {  	[tilespmem:$0x740] =	vst v24  }
0x6f: {  	[tilespmem:$0x750] =	vst v26  }
0x70: {  	[tilespmem:$0x760] =	vst v28  }
0x71: {  	[tilespmem:$0x770] =	vst v30  }
0x72: {  	[tilespmem:$0x6D0] =	vst v16;
	v16 =	vld [tilespmem:$0x1FF50]  }
0x73: {  	[tilespmem:$0x780] =	vst v32  }
0x74: {  	[tilespmem:$0x790] =	vst v34  }
0x75: {  	[tilespmem:$0x7A0] =	vst v36  }
0x76: {  	[tilespmem:$0x7B0] =	vst v38  }
0x77: {  	[tilespmem:$0x6E0] =	vst v16;
	v16 =	vld [tilespmem:$0x1FF70]  }
0x78: {  	[tilespmem:$0x7C0] =	vst v40  }
0x79: {  	[tilespmem:$0x7D0] =	vst v42  }
0x7a: {  	[tilespmem:$0x7E0] =	vst v44  }
0x7b: {  	[tilespmem:$0x7F0] =	vst v46  }
0x7c: {  	[tilespmem:$0x6F0] =	vst v16;
	v16 =	vld [tilespmem:$0x1FF90]  }
0x7d: {  	[tilespmem:$0x800] =	vst v47  }
0x7e: {  	[tilespmem:$0x810] =	vst v48  }
0x7f: {  	[tilespmem:$0x820] =	vst v49  }
0x80: {  	[tilespmem:$0x830] =	vst v50  }
0x81: {  	[tilespmem:$0x700] =	vst v16;
	v16 =	vld [tilespmem:$0x1FFB0]  }
0x82: {  	[tilespmem:$0x840] =	vst v51  }
0x83: {  	[tilespmem:$0x850] =	vst v52  }
0x84: {  	[tilespmem:$0x860] =	vst v53  }
0x85: {  	[tilespmem:$0x870] =	vst v54  }
0x86: {  	[tilespmem:$0x710] =	vst v16;
	v16 =	vld [tilespmem:$0x1FFD0]  }
0x87: {  	[tilespmem:$0x880] =	vst v55  }
0x88: {  	[tilespmem:$0x890] =	vst v56  }
0x89: {  	[tilespmem:$0x8A0] =	vst v57  }
0x8a: {  	[tilespmem:$0x8B0] =	vst v58  }
0x8b: {  	[tilespmem:$0x720] =	vst v16;
	v16 =	vld [tilespmem:$0x1FFF0]  }
0x8c: {  	[tilespmem:$0x8C0] =	vst v59  }
0x8d: {  	[tilespmem:$0x8D0] =	vst v60  }
0x8e: {  	[tilespmem:$0x8E0] =	vst v61  }
0x8f: {  	[tilespmem:$0x8F0] =	vst v62  }
0x90: {  	[tilespmem:$0x730] =	vst v16  }
0x91: {  	[hbm4b:s2+s7] =	stream.indirect.scatter [tilespmem:s9], [sflag:$0x1], $0x1, s8, s7, $0xb8;
	[tilespmem:$0xA80] =	vst v63  }
0x92: {  	_ =	swait.ge [sflag:s10], $0x80  }
0x93: {  	[sflag:s10] =	ssyncset.done $0x0  }
0x94: {  	[sflag:s10] =	ssyncadd.s32 $0xFFFFFF80  }
0x95: {  	[hbm4b:s2+s7] =	stream.indirect.scatter [tilespmem:s12], [sflag:$0x1], $0x1, s11, s7, $0xb8;
	[tilespmem:$0xA80] =	vst v63  }
0x96: {  	_ =	swait.ge [sflag:s10], $0x80  }
0x97: {  	[sflag:s10] =	ssyncset.done $0x0  }
0x98: {  	[sflag:s10] =	ssyncadd.s32 $0xFFFFFF80  }
0x99: {  	[hbm4b:s2+s7] =	stream.indirect.scatter [tilespmem:s14], [sflag:$0x1], $0x1, s13, s7, $0xb8;
	[tilespmem:$0xA80] =	vst v63  }
0x9a: {  	_ =	swait.ge [sflag:s10], $0x80  }
0x9b: {  	[sflag:s10] =	ssyncset.done $0x0  }
0x9c: {  	[sflag:s10] =	ssyncadd.s32 $0xFFFFFF80  }
0x9d: {  	[hbm4b:s2+s7] =	stream.indirect.scatter [tilespmem:s16], [sflag:$0x1], $0x1, s15, s7, $0xb8;
	[tilespmem:$0xA80] =	vst v63  }
0x9e: {  	_ =	swait.ge [sflag:s10], $0x80  }
0x9f: {  	p0 =	sne.s32 s5, $0x1;
	[sflag:s10] =	ssyncset.done $0x0  }
.Ltmp0:
0xa0: {  	[sflag:s10] =	ssyncadd.s32 $0xFFFFFF80;
	(pc) =	sbr.rel @p0 .LBB2_1-.Ltmp0, $4  }
0xa1: {  	[hbm4b:s2+s7] =	stream.indirect.scatter [tilespmem:s18], [sflag:$0x1], $0x1, s17, s7, $0xb8;
	[tilespmem:$0xA80] =	vst v63  }
0xa2: {  	_ =	swait.ge [sflag:s10], $0x80  }
0xa3: {  	[sflag:s10] =	ssyncset.done $0x0  }
0xa4: {  	s5 =	sadd.s32 $0xFFFFFFFF, s5;
	[sflag:s10] =	ssyncadd.s32 $0xFFFFFF80  }
0xa5: {  	_ =	sfence.sel $0x180000  }
0xa6: {  	[bflag:$0x0] =	sbarrier.arrive $0xFFFF  }
0xa7: {  	p0 =	sne.s32 s0, $0x0;
	_ =	strace $0x90000047  }
0xa8: {  	s0 =	sadd.s32 @!p0 $0x100000, s1;
	[bflag:$0x2] =	sbarrier.arrive $0xFFFF  }
0xa9: {  	[sflag:s0] =	ssyncadd.tile.s32 @!p0 $0x1;
	_ =	shalt  }
.Lfunc_end2:
_tile_overlayer_lowered:
.L_overlay_start_2:
0xaa: {  	(tag) =	ssettag $0x2  }
0xab: {  	s0 =	rddreg [dreg:$0x0];
	s2 =	stileid.u32  }
0xac: {  	s1 =	rddreg [dreg:$0x1];
	p0 =	sne.s32 s2, $0x0  }
0xad: {  	s3 =	rddreg [dreg:$0x2];
	[bflag:$0x3] =	sbarrier.arrive $0xFFFF;
	s2 =	simm.s32 @!p0 $0x1C02  }
0xae: {  	[timem:s3], [sflag:s2] =	dma.local @!p0 [hbm:s0], s1  }
0xaf: {  	s0 =	simm.s32 @!p0 $0x2  }
0xb0: {  	_ =	swait.ge @!p0 [sflag:s0], s1  }
0xb1: {  	s1 =	ssub.s32 @!p0 $0x0, s1;
	[sflag:s0] =	ssyncset.done @!p0 $0x0  }
0xb2: {  	[sflag:s0] =	ssyncadd.s32 @!p0 s1  }
0xb3: {  	[bflag:$0x3] =	sbarrier.arrive $0xFFFF  }
0xb4: {  	_ =	shalt  }

// kernel: kernel.9.cloned.1.call-start
scs
__scs_entry_jumppad:
0x0: {  	(pc) =	sbr.rel $0x88, $3  }
0x1: {  	(tag) =	ssettag $0x0;
	lr =	simm.s32 $0x1  }
0x2: {  	[smem:$0x3F9E] =	sst lr;
	_ =	strace $0xD0000000  }
0x3: {  	_ = 	snop  }
0x4: {  	_ = 	snop  }
0x5: {  	_ = 	snop  }
0x6: {  	_ = 	snop  }
0x7: {  	_ = 	snop  }
__scs_overlays_trampoline_lowered:
0x8: {  	[smem:$0x3FAD] =	sst s0  }
0x9: {  	[smem:$0x3FAE] =	sst s1  }
0xa: {  	[smem:$0x3FAF] =	sst s2  }
0xb: {  	[smem:$0x3FB0] =	sst s3  }
0xc: {  	[smem:$0x3FB1] =	sst s4  }
0xd: {  	[smem:$0x3FB2] =	sst s5  }
0xe: {  	[smem:$0x3FB3] =	sst s6  }
0xf: {  	[smem:$0x3FB4] =	sst s7  }
0x10: {  	[smem:$0x3FB5] =	sst s8  }
0x11: {  	[smem:$0x3FB6] =	sst s9;
	s0 =	simm.s32 @!p0 $0x0  }
0x12: {  	s1 =	sld [smem:$0x3F9C];
	s0 =	simm.s32 @p0 $0x1  }
0x13: {  	[smem:$0x3FB7] =	sst s0;
	s0 =	simm.s32 @!p1 $0x0  }
0x14: {  	s2 =	sld [smem:$0x3F9B];
	s0 =	simm.s32 @p1 $0x1  }
0x15: {  	[smem:$0x3FB8] =	sst s0;
	s0 =	simm.s32 @!p2 $0x0  }
0x16: {  	s3 =	sld [smem:$0x3FDB];
	s0 =	simm.s32 @p2 $0x1  }
0x17: {  	s4 =	simm.s32 $0x1BF5;
	[smem:$0x3FBA] =	sst s0  }
0x18: {  	s0 =	sld [smem:$0x3F9D];
	_ =	swait.ge [sflag:s4], $0x0  }
0x19: {  	s7 =	sld [smem:$0x3F9E]  }
0x1a: {  	s8 =	sadd.s32 $0xFFFFE003, lr  }
0x1b: {  	s9 =	sadd.s32 $0xFFFFFEF7, lr;
	s5 =	simm.s32 $0xFFFFFFFF;
	p2 =	slt.u32 s8, $0xFFFFF086  }
0x1c: {  	p1 =	slt.u32 s9, $0xF7A;
	s5 =	simm.s32 @!p2 $0x0  }
0x1d: {  	s5 =	simm.s32 @p1 $0x1;
	p0 =	seq.s32 s7, s2  }
0x1e: {  	s7 =	smul.u32 @!p0 $0xF7A, s2;
	p2 =	seq.s32 @!p0 s5, $0x0  }
0x1f: {  	s9 =	smul.u32 $0xF7A, s1;
	s8 =	simm.s32 @!p0 $0x1BF5;
	p2 =	por !p2, p0  }
0x20: {  	[sflag:s8] =	ssyncset.s32 @!p0 $0xFFFFF086;
	s6 =	sadd.s32 @!p0 s3, s7;
	s7 =	simm.s32 @!p0 $0x108  }
0x21: {  	s3 =	sadd.s32 s3, s9;
	s6 =	sadd.s32 @!p0 $0x88, s6;
	s7 =	simm.s32 @p2 $0x1082  }
0x22: {  	[simem:s7], [sflag:s8] =	dma.local @!p0 [hbm:s6], $0xF7A  }
0x23: {  	s9 =	sor.u32 $0xD0000000, s2;
	s6 =	simm.s32 $0x108;
	_ =	swait.ge @!p0 [sflag:s8], $0x0  }
0x24: {  	s3 =	sadd.s32 $0x88, s3;
	s6 =	simm.s32 @!p1 $0x1082;
	[sflag:s4] =	ssyncset.s32 $0xFFFFF086  }
0x25: {  	[simem:s6], [sflag:s4] =	dma.local [hbm:s3], $0xF7A  }
0x26: {  	[smem:$0x3F9E] =	sst s1;
	(tag) =	ssettag s2;
	_ =	strace s9  }
0x27: {  	s1 =	sld [smem:$0x3FAE]  }
0x28: {  	s2 =	sld [smem:$0x3FAF]  }
0x29: {  	s4 =	sld [smem:$0x3FB1]  }
0x2a: {  	p0 =	seq.s32 s5, $0x0;
	s5 =	sld [smem:$0x3FB2]  }
0x2b: {  	s6 =	sld [smem:$0x3FB3]  }
0x2c: {  	s7 =	sld [smem:$0x3FB4]  }
0x2d: {  	s3 =	simm.s32 $0x108;
	s8 =	sld [smem:$0x3FB5]  }
0x2e: {  	s3 =	simm.s32 @!p0 $0x1082;
	s9 =	sld [smem:$0x3FB6]  }
0x2f: {  	lr =	sadd.s32 s0, s3;
	s0 =	sld [smem:$0x3FAD]  }
0x30: {  	s3 =	sld [smem:$0x3FB0]  }
0x31: {  	[smem:$0x3FB9] =	sst s10  }
0x32: {  	s10 =	sld [smem:$0x3FB7];
	_ =	sdelay $0x3  }
0x33: {  	p0 =	seq.s32 s10, $0x1;
	s10 =	sld [smem:$0x3FB9];
	_ =	sdelay $0x3  }
0x34: {  	[smem:$0x3FB9] =	sst s10  }
0x35: {  	s10 =	sld [smem:$0x3FB8];
	_ =	sdelay $0x3  }
0x36: {  	p1 =	seq.s32 s10, $0x1;
	s10 =	sld [smem:$0x3FB9];
	_ =	sdelay $0x3  }
0x37: {  	[smem:$0x3FB9] =	sst s10  }
0x38: {  	s10 =	sld [smem:$0x3FBA]  }
0x39: {  	_ = 	snop;
	(pc) =	sbr.ind lr, $3  }
0x3a: {  	_ = 	snop  }
0x3b: {  	_ = 	snop  }
0x3c: {  	p2 =	seq.s32 s10, $0x1;
	s10 =	sld [smem:$0x3FB9]  }
0x3d: {  	_ =	shalt  }
0x3e: {  	_ =	shalt  }
0x3f: {  	_ =	shalt  }
0x40: {  	_ =	shalt  }
0x41: {  	_ =	shalt  }
0x42: {  	_ =	shalt  }
0x43: {  	_ =	shalt  }
0x44: {  	_ =	shalt  }
0x45: {  	_ =	shalt  }
0x46: {  	_ =	shalt  }
0x47: {  	_ =	shalt  }
0x48: {  	_ =	shalt  }
0x49: {  	_ =	shalt  }
0x4a: {  	_ =	shalt  }
0x4b: {  	_ =	shalt  }
0x4c: {  	_ =	shalt  }
0x4d: {  	_ =	shalt  }
0x4e: {  	_ =	shalt  }
0x4f: {  	_ =	shalt  }
0x50: {  	_ =	shalt  }
0x51: {  	_ =	shalt  }
0x52: {  	_ =	shalt  }
0x53: {  	_ =	shalt  }
0x54: {  	_ =	shalt  }
0x55: {  	_ =	shalt  }
0x56: {  	_ =	shalt  }
0x57: {  	_ =	shalt  }
0x58: {  	_ =	shalt  }
0x59: {  	_ =	shalt  }
0x5a: {  	_ =	shalt  }
0x5b: {  	_ =	shalt  }
0x5c: {  	_ =	shalt  }
0x5d: {  	_ =	shalt  }
0x5e: {  	_ =	shalt  }
0x5f: {  	_ =	shalt  }
0x60: {  	_ =	shalt  }
0x61: {  	_ =	shalt  }
0x62: {  	_ =	shalt  }
0x63: {  	_ =	shalt  }
0x64: {  	_ =	shalt  }
0x65: {  	_ =	shalt  }
0x66: {  	_ =	shalt  }
0x67: {  	_ =	shalt  }
0x68: {  	_ =	shalt  }
0x69: {  	_ =	shalt  }
0x6a: {  	_ =	shalt  }
0x6b: {  	_ =	shalt  }
0x6c: {  	_ =	shalt  }
0x6d: {  	_ =	shalt  }
0x6e: {  	_ =	shalt  }
0x6f: {  	_ =	shalt  }
0x70: {  	_ =	shalt  }
0x71: {  	_ =	shalt  }
0x72: {  	_ =	shalt  }
0x73: {  	_ =	shalt  }
0x74: {  	_ =	shalt  }
0x75: {  	_ =	shalt  }
0x76: {  	_ =	shalt  }
0x77: {  	_ =	shalt  }
0x78: {  	_ =	shalt  }
0x79: {  	_ =	shalt  }
0x7a: {  	_ =	shalt  }
0x7b: {  	_ =	shalt  }
0x7c: {  	_ =	shalt  }
0x7d: {  	_ =	shalt  }
0x7e: {  	_ =	shalt  }
0x7f: {  	_ =	shalt  }
0x80: {  	_ =	shalt  }
0x81: {  	_ =	shalt  }
0x82: {  	_ =	shalt  }
0x83: {  	_ =	shalt  }
0x84: {  	_ =	shalt  }
0x85: {  	_ =	shalt  }
0x86: {  	_ =	shalt  }
0x87: {  	_ =	shalt  }
.Lfunc_end0:
.L_simem_size_0:
called_computation.1_lowered:
.L_overlay_start_0:
0x88: {  	s2 =	sld [smem:$0x3FD9]  }
0x89: {  	s3 =	sld [smem:$0x3FFE];
	_ =	sdelay $0x1  }
0x8a: {  	s1 =	srdreg.scid  }
0x8b: {  	s0 =	sand.u32 $0x1, s1  }
0x8c: {  	s14 =	sshll.u32 s0, $0xA;
	s2 =	sadd.s32 s3, s2  }
0x8d: {  	s2 =	sadd.s32 s2, s14  }
0x8e: {  	[smem:$0x3FC5] =	sst s2  }
0x8f: {  	_ = 	snop  }
0x90: {  	s2 =	sld [smem:$0x3FD0];
	_ =	sdelay $0x2  }
0x91: {  	s15 =	simm.s32 $0xA;
	s4 =	simm.s32 $0x10  }
0x92: {  	[smem:s4], [sflag:s15] =	dma.local [hbm:s2], $0x1  }
0x93: {  	_ =	swait.eq [sflag:s15], $0x1  }
0x94: {  	[sflag:s15] =	ssyncset.done $0x0  }
0x95: {  	[sflag:s15] =	ssyncadd.s32 $0xFFFFFFFF  }
0x96: {  	s16 =	sld [smem:$0x11];
	(tm) =	ssettm $0x1  }
0x97: {  	s17 =	sld [smem:$0x3FFB];
	_ =	sdelay $0x3  }
0x98: {  	_ =	strace s17  }
0x99: {  	s3 =	sld [smem:$0x3FFC];
	_ =	sdelay $0x3  }
0x9a: {  	_ =	strace s3  }
0x9b: {  	s3 =	sld [smem:$0x3FFD];
	_ =	sdelay $0x3  }
0x9c: {  	_ =	strace s3  }
0x9d: {  	_ =	strace $0x8FFFFFFF  }
0x9e: {  	s18 =	sld [smem:$0x3FDB];
	_ =	sdelay $0x1  }
0x9f: {  	s19 =	simm.s32 $_scs_section_size  }
0xa0: {  	s5 =	simm.s32 $_size__tile_overlayer_lowered;
	s6 =	simm.s32 $_tile_overlayer_lowered  }
0xa1: {  	s22 =	simm.s32 $0x1BFF;
	s21 =	sshll.u32 s6, $0x1;
	s3 =	sadd.s32 s19, s18  }
0xa2: {  	s7 =	simm.s32 $0x0;
	s20 =	sshll.u32 s5, $0x1;
	s5 =	sadd.s32 s21, s3  }
0xa3: {  	[timem:s7], [sflag:s22] =	dma.local [hbm:s5], s20  }
0xa4: {  	_ =	swait.ge [sflag:s22], s20  }
0xa5: {  	s4 =	ssub.s32 $0x0, s20;
	[sflag:s22] =	ssyncset.done $0x0  }
0xa6: {  	[sflag:s22] =	ssyncadd.s32 s4;
	_ =	sdelay $0x1  }
0xa7: {  	s23 =	simm.s32 $0x1B8B  }
0xa8: {  	_ =	swait.ge [sflag:s23], $0x1  }
0xa9: {  	[sflag:s23] =	ssyncset.done $0x0  }
0xaa: {  	s25 =	simm.s32 $0x1B8E;
	s24 =	sld [smem:$0x3FFE];
	[sflag:s23] =	ssyncadd.s32 $0xFFFFFFFF  }
0xab: {  	s26 =	simm.s32 $execute0_lowered;
	[smem:$0x3FD2] =	sst s25  }
0xac: {  	s5 =	sshll.u32 s26, $0x1;
	_ =	strace $0x80000049;
	[dreg:$0x1] =	wrdreg $0xFFFFFFFF  }
0xad: {  	s28 =	simm.s32 $_size_execute0_lowered;
	s3 =	sadd.s32 s3, s5;
	[dreg:$0x0] =	wrdreg $0x0  }
0xae: {  	s5 =	sshll.u32 s28, $0x1;
	[dreg:$0x2] =	wrdreg s3  }
0xaf: {  	[dreg:$0x3] =	wrdreg s5  }
0xb0: {  	[dreg:$0x4] =	wrdreg $0xC0  }
0xb1: {  	_ =	task [dreg:s7], $0x5FFFF  }
0xb2: {  	[dreg:$0x1] =	wrdreg $0xFFFFFFFF  }
0xb3: {  	[dreg:$0x0] =	wrdreg $0x60  }
0xb4: {  	[dreg:$0x2] =	wrdreg s16  }
0xb5: {  	[dreg:$0x3] =	wrdreg s24  }
0xb6: {  	[dreg:$0x4] =	wrdreg $0x9  }
0xb7: {  	_ =	task.clear_ibuf [dreg:s7], $0x5FFFF;
	_ =	strace $0x90000049  }
0xb8: {  	s29 =	simm.s32 $0x9;
	_ =	strace $0x8000004B  }
0xb9: {  	_ =	swait.ge [sflag:s29], $0x1  }
0xba: {  	[sflag:s29] =	ssyncadd.s32 $0xFFFFFFFF  }
0xbb: {  	_ =	strace $0x9000004B  }
0xbc: {  	_ =	sfence  }
0xbd: {  	s30 =	sld [smem:$0x0];
	_ =	sdelay $0x2  }
0xbe: {  	s31 =	sshll.u32 s1, $0xD;
	s1 =	sshrl.u32 s1, $0x2  }
0xbf: {  	s3 =	sand.u32 $0x4000, s31;
	s1 =	sadd.s32 s1, s30  }
0xc0: {  	s0 =	sor.u32 s3, s0;
	s1 =	sshll.u32 s1, $0x11  }
0xc1: {  	s0 =	sor.u32 s1, s0  }
0xc2: {  	s0 =	sadd.s32 $0x8F2B, s0  }
0xc3: {  	[sflag:s0] =	ssyncadd.remote.s32 $0x1  }
0xc4: {  	_ =	sfence.sel $0xFFFF  }
0xc5: {  	[dreg:$0x0] =	wrdreg $0xFFFFFFFF;
	(pc) =	sbr.abs _section_cstart, $3  }
0xc6: {  	[dreg:$0x1] =	wrdreg $0xFFFFFFFF  }
0xc7: {  	_ =	task.clear_ibuf [dreg:s7], $0x2FFFF;
	_ =	strace $0x9FFFFFFF  }
0xc8: {  	(tm) =	ssettm $0x7FFFFFFF  }
0xc9: {  	_ =	shalt  }
tec
execute0_lowered:
.L_overlay_start_1:
0x0: {  	(tag) =	ssettag $0x1  }
0x1: {  	s1 =	srdreg.scid;
	s3 =	rddreg [dreg:$0x0]  }
0x2: {  	s0 =	stileid.u32;
	s9 =	rddreg [dreg:$0x1]  }
0x3: {  	s2 =	simm.s32 $0x0;
	s7 =	simm.s32 $0x80;
	s6 =	sand.u32 $0x1, s1  }
0x4: {  	s4 =	sshll.u32 s0, $0x7;
	s1 =	rddreg [dreg:$0x2];
	s5 =	sshll.u32 s6, $0x6  }
0x5: {  	s8 =	simm.s32 $0x1;
	[smem:$0x7FF] =	sst s2;
	s10 =	sor.u32 s5, s4  }
0x6: {  	_ =	strace $0x8000004A;
	s11 =	ssub.s32 $0x2, s6;
	s4 =	sshrl.u32 s10, $0x3  }
0x7: {  	s6 =	simm.s32 $0x40;
	s4 =	sadd.s32 s3, s4;
	s3 =	simm.s32 $0x2  }
0x8: {  	[tilespmem:s2], [sflag:$0x2] =	stream.linear.gather [hbm4b:s4+s2], $0x40, $0x38;
	[tilespmem:$0x2080] =	vst v63  }
0x9: {  	s5 =	sadd.s32 $0x18F200, s9;
	s12 =	sshrl.u32 s11, $0x1;
	_ =	swait.ge [sflag:s3], $0x40  }
0xa: {  	s10 =	sshll.u32 s10, $0x4;
	s31 =	ssub.s32 s11, s12;
	[sflag:s3] =	ssyncset.done $0x0  }
0xb: {  	s9 =	sadd.s32 s10, s9;
	s10 =	smax.u32 s31, $0x1;
	[sflag:s3] =	ssyncadd.s32 $0xFFFFFFC0  }
0xc: {  	[tilespmem:s7], [sflag:$0x1] =	stream.indirect.gather [hbm4b:s5+s6], $0x80, s2, s6, $0xb8;
	[tilespmem:$0x2080] =	vst v63  }
0xd: {  	p0 =	sne.s32 s10, $0x1;
	_ =	swait.ge [sflag:s8], $0x2000  }
.Ltmp0:
0xe: {  	[sflag:s8] =	ssyncset.done $0x0;
	(pc) =	sbr.rel @!p0 .LBB2_2-.Ltmp0, $4  }
0xf: {  	s9 =	sadd.s32 $0x600, s9;
	[sflag:s8] =	ssyncadd.s32 $0xFFFFE000  }
0x10: {  	[hbm4b:s9+s2] =	stream.linear.scatter [tilespmem:s7], [sflag:$0x2], $0x2000, $0x38;
	[tilespmem:$0x2080] =	vst v63  }
0x11: {  	_ =	swait.ge [sflag:s3], $0x2000  }
0x12: {  	s10 =	sadd.s32 $0xFFFFFFFF, s10;
	[sflag:s3] =	ssyncset.done $0x0  }
.LBB2_1:
0x13: {  	p0 =	sne.s32 s10, $0x1;
	s10 =	sadd.s32 $0xFFFFFFFF, s10;
	[sflag:s3] =	ssyncadd.s32 $0xFFFFE000  }
0x14: {  	[tilespmem:s2], [sflag:$0x2] =	stream.linear.gather [hbm4b:s4+s2], $0x40, $0x38;
	[tilespmem:$0x2080] =	vst v63  }
0x15: {  	_ =	swait.ge [sflag:s3], $0x40  }
0x16: {  	[sflag:s3] =	ssyncset.done $0x0  }
0x17: {  	[sflag:s3] =	ssyncadd.s32 $0xFFFFFFC0  }
0x18: {  	[tilespmem:s7], [sflag:$0x1] =	stream.indirect.gather [hbm4b:s5+s6], $0x80, s2, s6, $0xb8;
	[tilespmem:$0x2080] =	vst v63  }
0x19: {  	_ =	swait.ge [sflag:s8], $0x2000  }
.Ltmp1:
0x1a: {  	[sflag:s8] =	ssyncset.done $0x0;
	(pc) =	sbr.rel @p0 .LBB2_1-.Ltmp1, $4  }
0x1b: {  	[sflag:s8] =	ssyncadd.s32 $0xFFFFE000  }
0x1c: {  	[hbm4b:s9+s2] =	stream.linear.scatter [tilespmem:s7], [sflag:$0x2], $0x2000, $0x38;
	[tilespmem:$0x2080] =	vst v63  }
0x1d: {  	_ =	swait.ge [sflag:s3], $0x2000  }
0x1e: {  	[sflag:s3] =	ssyncset.done $0x0  }
.LBB2_2:
0x1f: {  	[sflag:s3] =	ssyncadd.s32 $0xFFFFE000  }
0x20: {  	_ =	sfence.sel $0x180000  }
0x21: {  	[bflag:$0x0] =	sbarrier.arrive $0xFFFF  }
0x22: {  	p0 =	sne.s32 s0, $0x0;
	_ =	strace $0x9000004A  }
0x23: {  	s0 =	sadd.s32 @!p0 $0x100000, s1;
	[bflag:$0x2] =	sbarrier.arrive $0xFFFF  }
0x24: {  	[sflag:s0] =	ssyncadd.tile.s32 @!p0 $0x1;
	_ =	shalt  }
.Lfunc_end2:
_tile_overlayer_lowered:
.L_overlay_start_2:
0x25: {  	(tag) =	ssettag $0x2  }
0x26: {  	s0 =	rddreg [dreg:$0x0];
	s2 =	stileid.u32  }
0x27: {  	s1 =	rddreg [dreg:$0x1];
	p0 =	sne.s32 s2, $0x0  }
0x28: {  	s3 =	rddreg [dreg:$0x2];
	[bflag:$0x3] =	sbarrier.arrive $0xFFFF;
	s2 =	simm.s32 @!p0 $0x1C02  }
0x29: {  	[timem:s3], [sflag:s2] =	dma.local @!p0 [hbm:s0], s1  }
0x2a: {  	s0 =	simm.s32 @!p0 $0x2  }
0x2b: {  	_ =	swait.ge @!p0 [sflag:s0], s1  }
0x2c: {  	s1 =	ssub.s32 @!p0 $0x0, s1;
	[sflag:s0] =	ssyncset.done @!p0 $0x0  }
0x2d: {  	[sflag:s0] =	ssyncadd.s32 @!p0 s1  }
0x2e: {  	[bflag:$0x3] =	sbarrier.arrive $0xFFFF  }
0x2f: {  	_ =	shalt  }

</sc_bundles>
